<compile_context>
chip_gen: v7x
topology: tpu7x:2x2x1
jax: 0.10.2.dev20260603
libtpu: 0.0.44.dev20260713+nightly
codegen_flags: <defaults>
</compile_context>

<pallas_src>
import functools
import jax
import jax.numpy as jnp
from jax import lax
from jax.experimental import pallas as pl
from jax.experimental.pallas import tpu as pltpu
from jax.experimental.pallas import tpu_sc as plsc

N = 100000
P = 50000
NW = 16
CPW = 3200
VPW = 2 * CPW
NCH = VPW // 128
RED = 6272
NPAD = NW * RED
IPAD = NW * VPW
OWNER = P // CPW
LSLOT = P - OWNER * CPW
F32 = jnp.float32
I32 = jnp.int32


def _perm(v, idx):
    return v.at[idx].get(mode="promise_in_bounds")


def _bcast(v, i):
    return _perm(v, jnp.zeros((16,), I32) + i)


def _bfly(v, op):
    iot = lax.iota(I32, 16)
    for s in (1, 2, 4, 8):
        v = op(v, _perm(v, iot ^ s))
    return v


def _body(tab, fidx, eidx, ofin, oess,
          idx_v, vals_v, sidx_v, fil_v, mbuf, ebuf, fillb,
          ev_i, ev_o, pub_v, lpart_v, pubc_v, lcnt_v,
          sh_f, sh_c, gsem, ssem, esem):
    wid = lax.axis_index("s")
    iot = lax.iota(I32, 16)
    z = iot * 0

    sc0 = jax.named_scope("ph0_stage_fire"); sc0.__enter__()
    pltpu.sync_copy(fidx.at[pl.ds(wid * VPW, VPW)], idx_v)

    def fire_g(j, c):
        pltpu.async_copy(tab.at[idx_v.at[pl.ds(j * 128, 128)]],
                         vals_v.at[pl.ds(j * 128, 128)], gsem)
        return c
    lax.fori_loop(0, NCH, fire_g, 0)

    @pl.when(wid == 0)
    def _():
        pltpu.sync_copy(eidx, ev_i)
        pltpu.async_copy(tab.at[ev_i], ev_o, esem)

    sc0.__exit__(None, None, None)
    sc1 = jax.named_scope("ph1_reduce"); sc1.__enter__()
    pltpu.sync_copy(tab.at[pl.ds(wid * RED, RED)], fil_v)

    def red(j, c):
        mn, mx = c
        v = fil_v[pl.ds(j * 16, 16)]
        ok = (wid * RED + j * 16 + iot) < N
        mn = jnp.minimum(mn, jnp.where(ok, v, jnp.inf))
        mx = jnp.maximum(mx, jnp.where(ok, v, -jnp.inf))
        return mn, mx
    mn, mx = lax.fori_loop(0, RED // 16, red,
                           (jnp.full((16,), jnp.inf, F32),
                            jnp.full((16,), -jnp.inf, F32)))
    min_v = _bfly(mn, jnp.minimum)
    max_v = _bfly(mx, jnp.maximum)

    sc1.__exit__(None, None, None)
    sc2 = jax.named_scope("ph2_drain_gather"); sc2.__enter__()
    pltpu.make_async_copy(tab.at[pl.ds(0, VPW)], vals_v, gsem).wait()
    sc2.__exit__(None, None, None)
    sc3 = jax.named_scope("ph3_partials"); sc3.__enter__()

    v0 = vals_v[pl.ds(0, 16)]
    row = jnp.where(iot == 0, min_v,
          jnp.where(iot == 1, max_v,
          jnp.where(iot == 2, _bcast(v0, 0), _bcast(v0, 1))))
    pub_v[...] = row
    pltpu.sync_copy(pub_v, sh_f.at[pl.ds(wid * 16, 16)])
    plsc.subcore_barrier()
    pltpu.sync_copy(sh_f, lpart_v)
    gmin = _bfly(plsc.load_gather(lpart_v, [iot * 16]), jnp.minimum)
    gmax = _bfly(plsc.load_gather(lpart_v, [iot * 16 + 1]), jnp.maximum)
    r0 = lpart_v[pl.ds(0, 16)]
    b0 = _bcast(r0, 2)
    d0 = _bcast(r0, 3)

    sc3.__exit__(None, None, None)
    sc4 = jax.named_scope("ph4_pass1"); sc4.__enter__()
    mmne = gmin != gmax

    def l1(k, cnt):
        base = k * 16
        fb = 2 * (base + iot)
        b = plsc.load_gather(vals_v, [fb])
        d = plsc.load_gather(vals_v, [fb + 1])
        pid = wid * CPW + base + iot
        m = b != d
        m = jnp.where(pid == P, mmne, m)
        m = jnp.logical_and(m, pid <= P)
        mi = m.astype(I32)
        inc = plsc.cumsum(mi)
        ebuf[pl.ds(base, 16)] = cnt + inc - mi
        mbuf[pl.ds(base, 16)] = mi
        return cnt + _bcast(inc, 15)
    cnt = lax.fori_loop(0, CPW // 16, l1, jnp.zeros((16,), I32))

    sc4.__exit__(None, None, None)
    sc5 = jnp and jax.named_scope("ph5_fill_pub"); sc5.__enter__()
    pubc_v[...] = jnp.where(iot == 0, cnt, 0)
    pltpu.sync_copy(pubc_v, sh_c.at[pl.ds(wid * 16, 16)])
    pat = jnp.where(iot % 2 == 0, b0, d0)

    def fl(j, c):
        fillb[pl.ds(j * 16, 16)] = pat
        return c
    lax.fori_loop(0, VPW // 16, fl, 0)
    pltpu.sync_copy(fillb, ofin.at[pl.ds(wid * VPW, VPW)])
    sc5.__exit__(None, None, None)
    sc6 = jax.named_scope("ph6_barrier2"); sc6.__enter__()
    plsc.subcore_barrier()
    sc6.__exit__(None, None, None)
    sc7 = jax.named_scope("ph7_pass2"); sc7.__enter__()

    pltpu.sync_copy(sh_c, lcnt_v)
    cvec = plsc.load_gather(lcnt_v, [iot * 16])
    goff = _bcast(plsc.cumsum(cvec) - cvec, wid)

    @pl.when(wid == OWNER)
    def _():
        pv = jnp.where(iot == 0, gmin, gmax)
        plsc.store_scatter(vals_v, [2 * LSLOT + iot], pv, mask=iot < 2)

    dmp = 2 * (P + 100 + wid)

    def l2(k, c):
        base = k * 16
        mi = mbuf[pl.ds(base, 16)]
        ex = ebuf[pl.ds(base, 16)]
        dest = 2 * (goff + ex)
        live = mi > 0
        fb = 2 * (base + iot)
        plsc.store_scatter(sidx_v, [fb], jnp.where(live, dest, dmp))
        plsc.store_scatter(sidx_v, [fb + 1],
                           jnp.where(live, dest + 1, dmp + 1))
        return c
    lax.fori_loop(0, CPW // 16, l2, 0)

    sc7.__exit__(None, None, None)
    sc8 = jax.named_scope("ph8_scatter"); sc8.__enter__()
    def fire_s(j, c):
        pltpu.async_copy(vals_v.at[pl.ds(j * 128, 128)],
                         ofin.at[sidx_v.at[pl.ds(j * 128, 128)]], ssem)
        return c
    lax.fori_loop(0, NCH, fire_s, 0)
    pltpu.make_async_copy(vals_v, ofin.at[pl.ds(0, VPW)], ssem).wait()

    @pl.when(wid == 0)
    def _():
        pltpu.make_async_copy(tab.at[pl.ds(0, 16)], ev_o, esem).wait()
        pltpu.sync_copy(ev_o, oess)
    sc8.__exit__(None, None, None)


_kern = pl.kernel(
    _body,
    out_type=(jax.ShapeDtypeStruct((IPAD,), F32),
              jax.ShapeDtypeStruct((16,), F32)),
    mesh=plsc.VectorSubcoreMesh(core_axis_name="c", subcore_axis_name="s",
                                num_cores=1),
    compiler_params=pltpu.CompilerParams(needs_layout_passes=False),
    scratch_types=[
        pltpu.VMEM((VPW,), I32),
        pltpu.VMEM((VPW,), F32),
        pltpu.VMEM((VPW,), I32),
        pltpu.VMEM((RED,), F32),
        pltpu.VMEM((CPW,), I32),
        pltpu.VMEM((CPW,), I32),
        pltpu.VMEM((VPW,), F32),
        pltpu.VMEM((16,), I32),
        pltpu.VMEM((16,), F32),
        pltpu.VMEM((16,), F32),
        pltpu.VMEM((256,), F32),
        pltpu.VMEM((16,), I32),
        pltpu.VMEM((256,), I32),
        pltpu.VMEM_SHARED((256,), F32),
        pltpu.VMEM_SHARED((256,), I32),
        pltpu.SemaphoreType.DMA,
        pltpu.SemaphoreType.DMA,
        pltpu.SemaphoreType.DMA,
    ],
)


@jax.jit
def kernel(filtration_values, finite_indices, essential_indices):
    tab = jnp.concatenate(
        [filtration_values, jnp.zeros((NPAD - N,), F32)])
    fidx = jnp.concatenate(
        [finite_indices, jnp.zeros((IPAD - 2 * P,), I32)])
    eidx = jnp.concatenate(
        [essential_indices, jnp.zeros((12,), I32)])
    ofin, oess = _kern(tab, fidx, eidx)
    return ofin[:2 * (P + 1)].reshape(P + 1, 2), oess[:4].reshape(4, 1)

# --- scband reference (transcript-rebuilt; emitter-appended) ---
"""Pipeline reference for scband-lower-star-layer-38027640439300 (READ-ONLY COPY).

The authoritative reference and input builder live on the scoring server;
editing this copy changes nothing except your own understanding.
"""

import jax, jax.numpy as jnp
import numpy as np

N = 100000
P = 50000  # finite persistence pairs for H0
Q = 4      # essential generators
MIN_PERSISTENCE = 0.0


def setup_inputs(seed: int = 0) -> dict:
    key = jax.random.key(seed)
    k1, k2, k3, k4 = jax.random.split(key, 4)
    filtration_values = jax.random.normal(k1, (N,), dtype=jnp.float32)
    # Structured birth/death index pairs (distinct vertices per pair), standing in
    # for simplextree.lower_star_persistence_generators() output (constant indices).
    births = jax.random.randint(k2, (P,), 0, N // 2, dtype=jnp.int32)
    deaths = jax.random.randint(k3, (P,), N // 2, N, dtype=jnp.int32)
    finite_indices = jnp.stack([births, deaths], axis=1).reshape(-1)
    essential_indices = jax.random.randint(k4, (Q,), 0, N, dtype=jnp.int32)
    return {
        "filtration_values": filtration_values,
        "finite_indices": finite_indices,
        "essential_indices": essential_indices,
    }


def reference(filtration_values, finite_indices, essential_indices):
    # Faithful to LowerStarLayer.call for homology_dimensions=[0], min_persistence=[0.0].
    # The persistence pairing (indices) is an external, non-differentiable computation;
    # here the indices are inputs. The layer itself appends the (argmin, argmax) pair.
    amin = jnp.argmin(filtration_values).astype(finite_indices.dtype)
    amax = jnp.argmax(filtration_values).astype(finite_indices.dtype)
    fin_idx = jnp.concatenate([finite_indices, jnp.stack([amin, amax])])
    finite_dgm = jnp.take(filtration_values, fin_idx).reshape(-1, 2)
    essential_dgm = jnp.take(filtration_values, essential_indices).reshape(-1, 1)
    # min_persistence >= 0 branch: filter pairs with |death - birth| > min_persistence
    mask = jnp.abs(finite_dgm[:, 1] - finite_dgm[:, 0]) > MIN_PERSISTENCE
    persistent_idx = jnp.nonzero(mask, size=mask.shape[0], fill_value=0)[0]
    finite_dgm = jnp.take(finite_dgm, persistent_idx, axis=0).reshape(-1, 2)
    return (finite_dgm, essential_dgm)

if __name__ == "__main__":
    import jax
    _d = setup_inputs()
    print(jax.jit(kernel)(*tuple(_d.values())))

</pallas_src>

<mosaic_0001>
#map = affine_map<(d0, d1) -> (0)>
module attributes {stable_mosaic.version = 14 : i64} {
  func.func @_body(%arg0: i32, %arg1: i32, %arg2: memref<100352xf32, #tpu.memory_space<hbm>>, %arg3: memref<102400xi32, #tpu.memory_space<hbm>>, %arg4: memref<16xi32, #tpu.memory_space<hbm>>, %arg5: memref<102400xf32, #tpu.memory_space<hbm>>, %arg6: memref<16xf32, #tpu.memory_space<hbm>>, %arg7: memref<6400xi32, #tpu.memory_space<vmem>>, %arg8: memref<6400xf32, #tpu.memory_space<vmem>>, %arg9: memref<6400xi32, #tpu.memory_space<vmem>>, %arg10: memref<6272xf32, #tpu.memory_space<vmem>>, %arg11: memref<3200xi32, #tpu.memory_space<vmem>>, %arg12: memref<3200xi32, #tpu.memory_space<vmem>>, %arg13: memref<6400xf32, #tpu.memory_space<vmem>>, %arg14: memref<16xi32, #tpu.memory_space<vmem>>, %arg15: memref<16xf32, #tpu.memory_space<vmem>>, %arg16: memref<16xf32, #tpu.memory_space<vmem>>, %arg17: memref<256xf32, #tpu.memory_space<vmem>>, %arg18: memref<16xi32, #tpu.memory_space<vmem>>, %arg19: memref<256xi32, #tpu.memory_space<vmem>>, %arg20: memref<256xf32, #tpu.memory_space<vmem_shared>>, %arg21: memref<256xi32, #tpu.memory_space<vmem_shared>>, %arg22: memref<!tpu.dma_semaphore, #tpu.memory_space<semaphore_mem>>, %arg23: memref<!tpu.dma_semaphore, #tpu.memory_space<semaphore_mem>>, %arg24: memref<!tpu.dma_semaphore, #tpu.memory_space<semaphore_mem>>) attributes {dimension_semantics = [#tpu.dimension_semantics<core_parallel>, #tpu.dimension_semantics<subcore_parallel>], iteration_bounds = array<i64: 1, 16>, scalar_prefetch = 0 : i64, scratch_operands = 18 : i64, tpu.core_type = #tpu.core_type<sc_vector_subcore>, window_params = [{transform_indices = #map}, {transform_indices = #map}, {transform_indices = #map}, {transform_indices = #map}, {transform_indices = #map}]} {
    %iota3A = tpu.iota {dimensions = array<i32: 0>} : vector<16xi32>
    %mul3A = arith.constant 0 : i32
    %mul3A_0 = vector.broadcast %mul3A : i32 to vector<16xi32>
    %mul3A_1 = arith.muli %iota3A, %mul3A_0 : vector<16xi32>
    "tpu.trace_start"() <{level = 10 : i32, message = "ph0_stage_fire"}> : () -> ()
    %mul3A_2 = arith.constant 6400 : i32
    %mul3A_3 = arith.muli %arg1, %mul3A_2 : i32
    "tpu.region"() ({
      %run_scoped3A = tpu.sem_alloc : memref<!tpu.dma_semaphore, #tpu.memory_space<semaphore_mem>>
      %dma_start3A = tpu.memref_slice %arg3[%mul3A_3] : memref<102400xi32, #tpu.memory_space<hbm>> -> memref<6400xi32, #tpu.memory_space<hbm>>
      %dma_start3A_435 = tpu.memref_slice %arg3[%mul3A_3] : memref<102400xi32, #tpu.memory_space<hbm>> -> memref<6400xi32, #tpu.memory_space<hbm>>
      tpu.enqueue_dma source(%dma_start3A_435 : memref<6400xi32, #tpu.memory_space<hbm>>) target(%arg7 : memref<6400xi32, #tpu.memory_space<vmem>>) target_semaphore(%run_scoped3A : memref<!tpu.dma_semaphore, #tpu.memory_space<semaphore_mem>>)
      %dma_wait3A_436 = tpu.memref_slice %arg3[%mul3A_3] : memref<102400xi32, #tpu.memory_space<hbm>> -> memref<6400xi32, #tpu.memory_space<hbm>>
      %dma_wait3A_437 = tpu.memref_slice %arg3[%mul3A_3] : memref<102400xi32, #tpu.memory_space<hbm>> -> memref<6400xi32, #tpu.memory_space<hbm>>
      tpu.wait_dma2 semaphore(%run_scoped3A : memref<!tpu.dma_semaphore, #tpu.memory_space<semaphore_mem>>) src(%dma_wait3A_437 : memref<6400xi32, #tpu.memory_space<hbm>>) dst(%arg7 : memref<6400xi32, #tpu.memory_space<vmem>>)
      tpu.yield
    }) : () -> ()
    %scan3A = arith.constant 0 : i32
    %scan3A_4 = arith.constant 0 : i32
    %scan3A_5 = arith.constant 50 : i32
    %scan3A_6 = arith.addi %scan3A_4, %scan3A_5 : i32
    %scan3A_7 = arith.constant 1 : i32
    scf.for %scan3A_435 = %scan3A_4 to %scan3A_6 step %scan3A_7  : i32 {
      %mul3A_436 = arith.constant 128 : i32
      %mul3A_437 = arith.muli %scan3A_435, %mul3A_436 : i32
      %mul3A_438 = arith.constant 128 : i32
      %mul3A_439 = arith.muli %scan3A_435, %mul3A_438 : i32
      %dma_start3A = tpu.memref_slice %arg8[%mul3A_439] : memref<6400xf32, #tpu.memory_space<vmem>> -> memref<128xf32, #tpu.memory_space<vmem>>
      %dma_start3A_440 = tpu.memref_slice %arg7[%mul3A_437] : memref<6400xi32, #tpu.memory_space<vmem>> -> memref<128xi32, #tpu.memory_space<vmem>>
      %dma_start3A_441 = arith.constant 0 : i32
      %dma_start3A_442 = tpu.memref_slice %arg2[%dma_start3A_441] : memref<100352xf32, #tpu.memory_space<hbm>> -> memref<100352xf32, #tpu.memory_space<hbm>>
      tpu.enqueue_indirect_dma source(%dma_start3A_442 : memref<100352xf32, #tpu.memory_space<hbm>>) target(%dma_start3A : memref<128xf32, #tpu.memory_space<vmem>>) offsets(%dma_start3A_440 : memref<128xi32, #tpu.memory_space<vmem>>) semaphore(%arg22 : memref<!tpu.dma_semaphore, #tpu.memory_space<semaphore_mem>>)
    }
    %scan3A_8 = arith.constant 50 : i32
    %eq3A = arith.constant 0 : i32
    %eq3A_9 = arith.cmpi eq, %arg1, %eq3A : i32
    %convert_element_type3A = arith.extui %eq3A_9 : i1 to i32
    %cond3A = arith.constant 0 : i32
    %cond3A_10 = arith.cmpi ne, %convert_element_type3A, %cond3A : i32
    scf.if %cond3A_10 {
      "tpu.region"() ({
        %run_scoped3A = tpu.sem_alloc : memref<!tpu.dma_semaphore, #tpu.memory_space<semaphore_mem>>
        tpu.enqueue_dma source(%arg4 : memref<16xi32, #tpu.memory_space<hbm>>) target(%arg14 : memref<16xi32, #tpu.memory_space<vmem>>) target_semaphore(%run_scoped3A : memref<!tpu.dma_semaphore, #tpu.memory_space<semaphore_mem>>)
        tpu.wait_dma2 semaphore(%run_scoped3A : memref<!tpu.dma_semaphore, #tpu.memory_space<semaphore_mem>>) src(%arg4 : memref<16xi32, #tpu.memory_space<hbm>>) dst(%arg14 : memref<16xi32, #tpu.memory_space<vmem>>)
        tpu.yield
      }) : () -> ()
      %dma_start3A = arith.constant 0 : i32
      %dma_start3A_435 = tpu.memref_slice %arg2[%dma_start3A] : memref<100352xf32, #tpu.memory_space<hbm>> -> memref<100352xf32, #tpu.memory_space<hbm>>
      tpu.enqueue_indirect_dma source(%dma_start3A_435 : memref<100352xf32, #tpu.memory_space<hbm>>) target(%arg15 : memref<16xf32, #tpu.memory_space<vmem>>) offsets(%arg14 : memref<16xi32, #tpu.memory_space<vmem>>) semaphore(%arg24 : memref<!tpu.dma_semaphore, #tpu.memory_space<semaphore_mem>>)
    } else {
    }
    "tpu.trace_stop"() : () -> ()
    "tpu.trace_start"() <{level = 10 : i32, message = "ph1_reduce"}> : () -> ()
    %mul3A_11 = arith.constant 6272 : i32
    %mul3A_12 = arith.muli %arg1, %mul3A_11 : i32
    "tpu.region"() ({
      %run_scoped3A = tpu.sem_alloc : memref<!tpu.dma_semaphore, #tpu.memory_space<semaphore_mem>>
      %dma_start3A = tpu.memref_slice %arg2[%mul3A_12] : memref<100352xf32, #tpu.memory_space<hbm>> -> memref<6272xf32, #tpu.memory_space<hbm>>
      %dma_start3A_435 = tpu.memref_slice %arg2[%mul3A_12] : memref<100352xf32, #tpu.memory_space<hbm>> -> memref<6272xf32, #tpu.memory_space<hbm>>
      tpu.enqueue_dma source(%dma_start3A_435 : memref<6272xf32, #tpu.memory_space<hbm>>) target(%arg10 : memref<6272xf32, #tpu.memory_space<vmem>>) target_semaphore(%run_scoped3A : memref<!tpu.dma_semaphore, #tpu.memory_space<semaphore_mem>>)
      %dma_wait3A_436 = tpu.memref_slice %arg2[%mul3A_12] : memref<100352xf32, #tpu.memory_space<hbm>> -> memref<6272xf32, #tpu.memory_space<hbm>>
      %dma_wait3A_437 = tpu.memref_slice %arg2[%mul3A_12] : memref<100352xf32, #tpu.memory_space<hbm>> -> memref<6272xf32, #tpu.memory_space<hbm>>
      tpu.wait_dma2 semaphore(%run_scoped3A : memref<!tpu.dma_semaphore, #tpu.memory_space<semaphore_mem>>) src(%dma_wait3A_437 : memref<6272xf32, #tpu.memory_space<hbm>>) dst(%arg10 : memref<6272xf32, #tpu.memory_space<vmem>>)
      tpu.yield
    }) : () -> ()
    %broadcast_in_dim3A = arith.constant 0x7F800000 : f32
    %broadcast_in_dim3A_13 = vector.broadcast %broadcast_in_dim3A : f32 to vector<16xf32>
    %broadcast_in_dim3A_14 = arith.constant 0xFF800000 : f32
    %broadcast_in_dim3A_15 = vector.broadcast %broadcast_in_dim3A_14 : f32 to vector<16xf32>
    %scan3A_16 = arith.constant 0 : i32
    %scan3A_17 = arith.constant 392 : i32
    %scan3A_18 = arith.addi %scan3A_16, %scan3A_17 : i32
    %scan3A_19 = arith.constant 1 : i32
    %scan3A_20:2 = scf.for %scan3A_435 = %scan3A_16 to %scan3A_18 step %scan3A_19 iter_args(%scan3A_436 = %broadcast_in_dim3A_13, %scan3A_437 = %broadcast_in_dim3A_15) -> (vector<16xf32>, vector<16xf32>)  : i32 {
      %mul3A_438 = arith.constant 16 : i32
      %mul3A_439 = arith.muli %scan3A_435, %mul3A_438 : i32
      %get3A_440 = arith.index_cast %mul3A_439 : i32 to index
      %get3A_441 = tpu.vector_load %arg10[%get3A_440] {strides = array<i32>} : memref<6272xf32, #tpu.memory_space<vmem>>, vector<16xf32>,
      %mul3A_442 = arith.constant 6272 : i32
      %mul3A_443 = arith.muli %arg1, %mul3A_442 : i32
      %mul3A_444 = arith.constant 16 : i32
      %mul3A_445 = arith.muli %scan3A_435, %mul3A_444 : i32
      %add3A_446 = arith.addi %mul3A_443, %mul3A_445 : i32
      %add3A_447 = vector.broadcast %add3A_446 : i32 to vector<16xi32>
      %add3A_448 = arith.addi %add3A_447, %iota3A : vector<16xi32>
      %lt3A_449 = arith.constant 100000 : i32
      %lt3A_450 = vector.broadcast %lt3A_449 : i32 to vector<16xi32>
      %lt3A_451 = arith.cmpi slt, %add3A_448, %lt3A_450 : vector<16xi32>
      %jit3A_452 = arith.constant 0x7F800000 : f32
      %broadcast_in_dim3A_453 = vector.broadcast %jit3A_452 : f32 to vector<16xf32>
      %select_n3A_454 = arith.select %lt3A_451, %get3A_441, %broadcast_in_dim3A_453 : vector<16xi1>, vector<16xf32>
      %min3A_455 = arith.minimumf %scan3A_436, %select_n3A_454 : vector<16xf32>
      %jit3A_456 = arith.constant 0xFF800000 : f32
      %broadcast_in_dim3A_457 = vector.broadcast %jit3A_456 : f32 to vector<16xf32>
      %select_n3A_458 = arith.select %lt3A_451, %get3A_441, %broadcast_in_dim3A_457 : vector<16xi1>, vector<16xf32>
      %max3A_459 = arith.maximumf %scan3A_437, %select_n3A_458 : vector<16xf32>
      scf.yield %min3A_455, %max3A_459 : vector<16xf32>, vector<16xf32>
    }
    %scan3A_21 = arith.constant 392 : i32
    %iota3A_22 = tpu.iota {dimensions = array<i32: 0>} : vector<16xi32>
    %xor3A = arith.constant 1 : i32
    %xor3A_23 = vector.broadcast %xor3A : i32 to vector<16xi32>
    %xor3A_24 = arith.xori %iota3A_22, %xor3A_23 : vector<16xi32>
    %lt3A = arith.constant 0 : i32
    %lt3A_25 = vector.broadcast %lt3A : i32 to vector<16xi32>
    %lt3A_26 = arith.cmpi slt, %xor3A_24, %lt3A_25 : vector<16xi32>
    %add3A = arith.constant 16 : i32
    %add3A_27 = vector.broadcast %add3A : i32 to vector<16xi32>
    %add3A_28 = arith.addi %xor3A_24, %add3A_27 : vector<16xi32>
    %select_n3A = arith.select %lt3A_26, %add3A_28, %xor3A_24 : vector<16xi1>, vector<16xi32>
    %broadcast_in_dim3A_29 = vector.shape_cast %select_n3A : vector<16xi32> to vector<16x1xi32>
    %gather3A = vector.shape_cast %broadcast_in_dim3A_29 : vector<16x1xi32> to vector<16xi32>
    %gather3A_30 = tpu.dynamic_gather %scan3A_20#0[%gather3A] in [0] : vector<16xf32>, vector<16xi32> -> vector<16xf32>
    %min3A = arith.minimumf %scan3A_20#0, %gather3A_30 : vector<16xf32>
    %xor3A_31 = arith.constant 2 : i32
    %xor3A_32 = vector.broadcast %xor3A_31 : i32 to vector<16xi32>
    %xor3A_33 = arith.xori %iota3A_22, %xor3A_32 : vector<16xi32>
    %lt3A_34 = arith.constant 0 : i32
    %lt3A_35 = vector.broadcast %lt3A_34 : i32 to vector<16xi32>
    %lt3A_36 = arith.cmpi slt, %xor3A_33, %lt3A_35 : vector<16xi32>
    %add3A_37 = arith.constant 16 : i32
    %add3A_38 = vector.broadcast %add3A_37 : i32 to vector<16xi32>
    %add3A_39 = arith.addi %xor3A_33, %add3A_38 : vector<16xi32>
    %select_n3A_40 = arith.select %lt3A_36, %add3A_39, %xor3A_33 : vector<16xi1>, vector<16xi32>
    %broadcast_in_dim3A_41 = vector.shape_cast %select_n3A_40 : vector<16xi32> to vector<16x1xi32>
    %gather3A_42 = vector.shape_cast %broadcast_in_dim3A_41 : vector<16x1xi32> to vector<16xi32>
    %gather3A_43 = tpu.dynamic_gather %min3A[%gather3A_42] in [0] : vector<16xf32>, vector<16xi32> -> vector<16xf32>
    %min3A_44 = arith.minimumf %min3A, %gather3A_43 : vector<16xf32>
    %xor3A_45 = arith.constant 4 : i32
    %xor3A_46 = vector.broadcast %xor3A_45 : i32 to vector<16xi32>
    %xor3A_47 = arith.xori %iota3A_22, %xor3A_46 : vector<16xi32>
    %lt3A_48 = arith.constant 0 : i32
    %lt3A_49 = vector.broadcast %lt3A_48 : i32 to vector<16xi32>
    %lt3A_50 = arith.cmpi slt, %xor3A_47, %lt3A_49 : vector<16xi32>
    %add3A_51 = arith.constant 16 : i32
    %add3A_52 = vector.broadcast %add3A_51 : i32 to vector<16xi32>
    %add3A_53 = arith.addi %xor3A_47, %add3A_52 : vector<16xi32>
    %select_n3A_54 = arith.select %lt3A_50, %add3A_53, %xor3A_47 : vector<16xi1>, vector<16xi32>
    %broadcast_in_dim3A_55 = vector.shape_cast %select_n3A_54 : vector<16xi32> to vector<16x1xi32>
    %gather3A_56 = vector.shape_cast %broadcast_in_dim3A_55 : vector<16x1xi32> to vector<16xi32>
    %gather3A_57 = tpu.dynamic_gather %min3A_44[%gather3A_56] in [0] : vector<16xf32>, vector<16xi32> -> vector<16xf32>
    %min3A_58 = arith.minimumf %min3A_44, %gather3A_57 : vector<16xf32>
    %xor3A_59 = arith.constant 8 : i32
    %xor3A_60 = vector.broadcast %xor3A_59 : i32 to vector<16xi32>
    %xor3A_61 = arith.xori %iota3A_22, %xor3A_60 : vector<16xi32>
    %lt3A_62 = arith.constant 0 : i32
    %lt3A_63 = vector.broadcast %lt3A_62 : i32 to vector<16xi32>
    %lt3A_64 = arith.cmpi slt, %xor3A_61, %lt3A_63 : vector<16xi32>
    %add3A_65 = arith.constant 16 : i32
    %add3A_66 = vector.broadcast %add3A_65 : i32 to vector<16xi32>
    %add3A_67 = arith.addi %xor3A_61, %add3A_66 : vector<16xi32>
    %select_n3A_68 = arith.select %lt3A_64, %add3A_67, %xor3A_61 : vector<16xi1>, vector<16xi32>
    %broadcast_in_dim3A_69 = vector.shape_cast %select_n3A_68 : vector<16xi32> to vector<16x1xi32>
    %gather3A_70 = vector.shape_cast %broadcast_in_dim3A_69 : vector<16x1xi32> to vector<16xi32>
    %gather3A_71 = tpu.dynamic_gather %min3A_58[%gather3A_70] in [0] : vector<16xf32>, vector<16xi32> -> vector<16xf32>
    %min3A_72 = arith.minimumf %min3A_58, %gather3A_71 : vector<16xf32>
    %iota3A_73 = tpu.iota {dimensions = array<i32: 0>} : vector<16xi32>
    %xor3A_74 = arith.constant 1 : i32
    %xor3A_75 = vector.broadcast %xor3A_74 : i32 to vector<16xi32>
    %xor3A_76 = arith.xori %iota3A_73, %xor3A_75 : vector<16xi32>
    %lt3A_77 = arith.constant 0 : i32
    %lt3A_78 = vector.broadcast %lt3A_77 : i32 to vector<16xi32>
    %lt3A_79 = arith.cmpi slt, %xor3A_76, %lt3A_78 : vector<16xi32>
    %add3A_80 = arith.constant 16 : i32
    %add3A_81 = vector.broadcast %add3A_80 : i32 to vector<16xi32>
    %add3A_82 = arith.addi %xor3A_76, %add3A_81 : vector<16xi32>
    %select_n3A_83 = arith.select %lt3A_79, %add3A_82, %xor3A_76 : vector<16xi1>, vector<16xi32>
    %broadcast_in_dim3A_84 = vector.shape_cast %select_n3A_83 : vector<16xi32> to vector<16x1xi32>
    %gather3A_85 = vector.shape_cast %broadcast_in_dim3A_84 : vector<16x1xi32> to vector<16xi32>
    %gather3A_86 = tpu.dynamic_gather %scan3A_20#1[%gather3A_85] in [0] : vector<16xf32>, vector<16xi32> -> vector<16xf32>
    %max3A = arith.maximumf %scan3A_20#1, %gather3A_86 : vector<16xf32>
    %xor3A_87 = arith.constant 2 : i32
    %xor3A_88 = vector.broadcast %xor3A_87 : i32 to vector<16xi32>
    %xor3A_89 = arith.xori %iota3A_73, %xor3A_88 : vector<16xi32>
    %lt3A_90 = arith.constant 0 : i32
    %lt3A_91 = vector.broadcast %lt3A_90 : i32 to vector<16xi32>
    %lt3A_92 = arith.cmpi slt, %xor3A_89, %lt3A_91 : vector<16xi32>
    %add3A_93 = arith.constant 16 : i32
    %add3A_94 = vector.broadcast %add3A_93 : i32 to vector<16xi32>
    %add3A_95 = arith.addi %xor3A_89, %add3A_94 : vector<16xi32>
    %select_n3A_96 = arith.select %lt3A_92, %add3A_95, %xor3A_89 : vector<16xi1>, vector<16xi32>
    %broadcast_in_dim3A_97 = vector.shape_cast %select_n3A_96 : vector<16xi32> to vector<16x1xi32>
    %gather3A_98 = vector.shape_cast %broadcast_in_dim3A_97 : vector<16x1xi32> to vector<16xi32>
    %gather3A_99 = tpu.dynamic_gather %max3A[%gather3A_98] in [0] : vector<16xf32>, vector<16xi32> -> vector<16xf32>
    %max3A_100 = arith.maximumf %max3A, %gather3A_99 : vector<16xf32>
    %xor3A_101 = arith.constant 4 : i32
    %xor3A_102 = vector.broadcast %xor3A_101 : i32 to vector<16xi32>
    %xor3A_103 = arith.xori %iota3A_73, %xor3A_102 : vector<16xi32>
    %lt3A_104 = arith.constant 0 : i32
    %lt3A_105 = vector.broadcast %lt3A_104 : i32 to vector<16xi32>
    %lt3A_106 = arith.cmpi slt, %xor3A_103, %lt3A_105 : vector<16xi32>
    %add3A_107 = arith.constant 16 : i32
    %add3A_108 = vector.broadcast %add3A_107 : i32 to vector<16xi32>
    %add3A_109 = arith.addi %xor3A_103, %add3A_108 : vector<16xi32>
    %select_n3A_110 = arith.select %lt3A_106, %add3A_109, %xor3A_103 : vector<16xi1>, vector<16xi32>
    %broadcast_in_dim3A_111 = vector.shape_cast %select_n3A_110 : vector<16xi32> to vector<16x1xi32>
    %gather3A_112 = vector.shape_cast %broadcast_in_dim3A_111 : vector<16x1xi32> to vector<16xi32>
    %gather3A_113 = tpu.dynamic_gather %max3A_100[%gather3A_112] in [0] : vector<16xf32>, vector<16xi32> -> vector<16xf32>
    %max3A_114 = arith.maximumf %max3A_100, %gather3A_113 : vector<16xf32>
    %xor3A_115 = arith.constant 8 : i32
    %xor3A_116 = vector.broadcast %xor3A_115 : i32 to vector<16xi32>
    %xor3A_117 = arith.xori %iota3A_73, %xor3A_116 : vector<16xi32>
    %lt3A_118 = arith.constant 0 : i32
    %lt3A_119 = vector.broadcast %lt3A_118 : i32 to vector<16xi32>
    %lt3A_120 = arith.cmpi slt, %xor3A_117, %lt3A_119 : vector<16xi32>
    %add3A_121 = arith.constant 16 : i32
    %add3A_122 = vector.broadcast %add3A_121 : i32 to vector<16xi32>
    %add3A_123 = arith.addi %xor3A_117, %add3A_122 : vector<16xi32>
    %select_n3A_124 = arith.select %lt3A_120, %add3A_123, %xor3A_117 : vector<16xi1>, vector<16xi32>
    %broadcast_in_dim3A_125 = vector.shape_cast %select_n3A_124 : vector<16xi32> to vector<16x1xi32>
    %gather3A_126 = vector.shape_cast %broadcast_in_dim3A_125 : vector<16x1xi32> to vector<16xi32>
    %gather3A_127 = tpu.dynamic_gather %max3A_114[%gather3A_126] in [0] : vector<16xf32>, vector<16xi32> -> vector<16xf32>
    %max3A_128 = arith.maximumf %max3A_114, %gather3A_127 : vector<16xf32>
    "tpu.trace_stop"() : () -> ()
    "tpu.trace_start"() <{level = 10 : i32, message = "ph2_drain_gather"}> : () -> ()
    %dma_wait3A = arith.constant 0 : i32
    %dma_wait3A_129 = tpu.memref_slice %arg2[%dma_wait3A] : memref<100352xf32, #tpu.memory_space<hbm>> -> memref<6400xf32, #tpu.memory_space<hbm>>
    %dma_wait3A_130 = arith.constant 0 : i32
    %dma_wait3A_131 = tpu.memref_slice %arg2[%dma_wait3A_130] : memref<100352xf32, #tpu.memory_space<hbm>> -> memref<6400xf32, #tpu.memory_space<hbm>>
    tpu.wait_dma2 semaphore(%arg22 : memref<!tpu.dma_semaphore, #tpu.memory_space<semaphore_mem>>) src(%dma_wait3A_131 : memref<6400xf32, #tpu.memory_space<hbm>>) dst(%arg8 : memref<6400xf32, #tpu.memory_space<vmem>>)
    "tpu.trace_stop"() : () -> ()
    "tpu.trace_start"() <{level = 10 : i32, message = "ph3_partials"}> : () -> ()
    %get3A = arith.constant 0 : index
    %get3A_132 = tpu.vector_load %arg8[%get3A] {strides = array<i32>} : memref<6400xf32, #tpu.memory_space<vmem>>, vector<16xf32>,
    %eq3A_133 = arith.constant 0 : i32
    %eq3A_134 = vector.broadcast %eq3A_133 : i32 to vector<16xi32>
    %eq3A_135 = arith.cmpi eq, %iota3A, %eq3A_134 : vector<16xi32>
    %eq3A_136 = arith.constant 1 : i32
    %eq3A_137 = vector.broadcast %eq3A_136 : i32 to vector<16xi32>
    %eq3A_138 = arith.cmpi eq, %iota3A, %eq3A_137 : vector<16xi32>
    %eq3A_139 = arith.constant 2 : i32
    %eq3A_140 = vector.broadcast %eq3A_139 : i32 to vector<16xi32>
    %eq3A_141 = arith.cmpi eq, %iota3A, %eq3A_140 : vector<16xi32>
    %broadcast_in_dim3A_142 = arith.constant 0 : i32
    %broadcast_in_dim3A_143 = vector.broadcast %broadcast_in_dim3A_142 : i32 to vector<16xi32>
    %add3A_144 = arith.constant 0 : i32
    %add3A_145 = vector.broadcast %add3A_144 : i32 to vector<16xi32>
    %add3A_146 = arith.addi %broadcast_in_dim3A_143, %add3A_145 : vector<16xi32>
    %lt3A_147 = arith.constant 0 : i32
    %lt3A_148 = vector.broadcast %lt3A_147 : i32 to vector<16xi32>
    %lt3A_149 = arith.cmpi slt, %add3A_146, %lt3A_148 : vector<16xi32>
    %add3A_150 = arith.constant 16 : i32
    %add3A_151 = vector.broadcast %add3A_150 : i32 to vector<16xi32>
    %add3A_152 = arith.addi %add3A_146, %add3A_151 : vector<16xi32>
    %select_n3A_153 = arith.select %lt3A_149, %add3A_152, %add3A_146 : vector<16xi1>, vector<16xi32>
    %broadcast_in_dim3A_154 = vector.shape_cast %select_n3A_153 : vector<16xi32> to vector<16x1xi32>
    %gather3A_155 = vector.shape_cast %broadcast_in_dim3A_154 : vector<16x1xi32> to vector<16xi32>
    %gather3A_156 = tpu.dynamic_gather %get3A_132[%gather3A_155] in [0] : vector<16xf32>, vector<16xi32> -> vector<16xf32>
    %broadcast_in_dim3A_157 = arith.constant 0 : i32
    %broadcast_in_dim3A_158 = vector.broadcast %broadcast_in_dim3A_157 : i32 to vector<16xi32>
    %add3A_159 = arith.constant 1 : i32
    %add3A_160 = vector.broadcast %add3A_159 : i32 to vector<16xi32>
    %add3A_161 = arith.addi %broadcast_in_dim3A_158, %add3A_160 : vector<16xi32>
    %lt3A_162 = arith.constant 0 : i32
    %lt3A_163 = vector.broadcast %lt3A_162 : i32 to vector<16xi32>
    %lt3A_164 = arith.cmpi slt, %add3A_161, %lt3A_163 : vector<16xi32>
    %add3A_165 = arith.constant 16 : i32
    %add3A_166 = vector.broadcast %add3A_165 : i32 to vector<16xi32>
    %add3A_167 = arith.addi %add3A_161, %add3A_166 : vector<16xi32>
    %select_n3A_168 = arith.select %lt3A_164, %add3A_167, %add3A_161 : vector<16xi1>, vector<16xi32>
    %broadcast_in_dim3A_169 = vector.shape_cast %select_n3A_168 : vector<16xi32> to vector<16x1xi32>
    %gather3A_170 = vector.shape_cast %broadcast_in_dim3A_169 : vector<16x1xi32> to vector<16xi32>
    %gather3A_171 = tpu.dynamic_gather %get3A_132[%gather3A_170] in [0] : vector<16xf32>, vector<16xi32> -> vector<16xf32>
    %select_n3A_172 = arith.select %eq3A_141, %gather3A_156, %gather3A_171 : vector<16xi1>, vector<16xf32>
    %select_n3A_173 = arith.select %eq3A_138, %max3A_128, %select_n3A_172 : vector<16xi1>, vector<16xf32>
    %select_n3A_174 = arith.select %eq3A_135, %min3A_72, %select_n3A_173 : vector<16xi1>, vector<16xf32>
    %swap3A = arith.constant 0 : index
    %swap3A_175 = tpu.vector_load %arg16[%swap3A] {strides = array<i32>} : memref<16xf32, #tpu.memory_space<vmem>>, vector<16xf32>,
    tpu.vector_store %arg16[%swap3A], %select_n3A_174 {strides = array<i32>} : memref<16xf32, #tpu.memory_space<vmem>>, vector<16xf32>,
    %mul3A_176 = arith.constant 16 : i32
    %mul3A_177 = arith.muli %arg1, %mul3A_176 : i32
    "tpu.region"() ({
      %run_scoped3A = tpu.sem_alloc : memref<!tpu.dma_semaphore, #tpu.memory_space<semaphore_mem>>
      %dma_start3A = tpu.memref_slice %arg20[%mul3A_177] : memref<256xf32, #tpu.memory_space<vmem_shared>> -> memref<16xf32, #tpu.memory_space<vmem_shared>>
      %dma_start3A_435 = tpu.memref_slice %arg20[%mul3A_177] : memref<256xf32, #tpu.memory_space<vmem_shared>> -> memref<16xf32, #tpu.memory_space<vmem_shared>>
      tpu.enqueue_dma source(%arg16 : memref<16xf32, #tpu.memory_space<vmem>>) target(%dma_start3A_435 : memref<16xf32, #tpu.memory_space<vmem_shared>>) target_semaphore(%run_scoped3A : memref<!tpu.dma_semaphore, #tpu.memory_space<semaphore_mem>>)
      %dma_wait3A_436 = tpu.memref_slice %arg20[%mul3A_177] : memref<256xf32, #tpu.memory_space<vmem_shared>> -> memref<16xf32, #tpu.memory_space<vmem_shared>>
      %dma_wait3A_437 = tpu.memref_slice %arg20[%mul3A_177] : memref<256xf32, #tpu.memory_space<vmem_shared>> -> memref<16xf32, #tpu.memory_space<vmem_shared>>
      tpu.wait_dma2 semaphore(%run_scoped3A : memref<!tpu.dma_semaphore, #tpu.memory_space<semaphore_mem>>) src(%arg16 : memref<16xf32, #tpu.memory_space<vmem>>) dst(%dma_wait3A_437 : memref<16xf32, #tpu.memory_space<vmem_shared>>)
      tpu.yield
    }) : () -> ()
    %barrier3A = arith.constant 0 : index
    tpu.barrier barrier_id(%barrier3A)
    "tpu.region"() ({
      %run_scoped3A = tpu.sem_alloc : memref<!tpu.dma_semaphore, #tpu.memory_space<semaphore_mem>>
      tpu.enqueue_dma source(%arg20 : memref<256xf32, #tpu.memory_space<vmem_shared>>) target(%arg17 : memref<256xf32, #tpu.memory_space<vmem>>) target_semaphore(%run_scoped3A : memref<!tpu.dma_semaphore, #tpu.memory_space<semaphore_mem>>)
      tpu.wait_dma2 semaphore(%run_scoped3A : memref<!tpu.dma_semaphore, #tpu.memory_space<semaphore_mem>>) src(%arg20 : memref<256xf32, #tpu.memory_space<vmem_shared>>) dst(%arg17 : memref<256xf32, #tpu.memory_space<vmem>>)
      tpu.yield
    }) : () -> ()
    %mul3A_178 = arith.constant 16 : i32
    %mul3A_179 = vector.broadcast %mul3A_178 : i32 to vector<16xi32>
    %mul3A_180 = arith.muli %iota3A, %mul3A_179 : vector<16xi32>
    %gather3A_181 = tpu.vector_load_idx %arg17[%mul3A_180] : memref<256xf32, #tpu.memory_space<vmem>>[vector<16xi32>], vector<16xf32>,
    %iota3A_182 = tpu.iota {dimensions = array<i32: 0>} : vector<16xi32>
    %xor3A_183 = arith.constant 1 : i32
    %xor3A_184 = vector.broadcast %xor3A_183 : i32 to vector<16xi32>
    %xor3A_185 = arith.xori %iota3A_182, %xor3A_184 : vector<16xi32>
    %lt3A_186 = arith.constant 0 : i32
    %lt3A_187 = vector.broadcast %lt3A_186 : i32 to vector<16xi32>
    %lt3A_188 = arith.cmpi slt, %xor3A_185, %lt3A_187 : vector<16xi32>
    %add3A_189 = arith.constant 16 : i32
    %add3A_190 = vector.broadcast %add3A_189 : i32 to vector<16xi32>
    %add3A_191 = arith.addi %xor3A_185, %add3A_190 : vector<16xi32>
    %select_n3A_192 = arith.select %lt3A_188, %add3A_191, %xor3A_185 : vector<16xi1>, vector<16xi32>
    %broadcast_in_dim3A_193 = vector.shape_cast %select_n3A_192 : vector<16xi32> to vector<16x1xi32>
    %gather3A_194 = vector.shape_cast %broadcast_in_dim3A_193 : vector<16x1xi32> to vector<16xi32>
    %gather3A_195 = tpu.dynamic_gather %gather3A_181[%gather3A_194] in [0] : vector<16xf32>, vector<16xi32> -> vector<16xf32>
    %min3A_196 = arith.minimumf %gather3A_181, %gather3A_195 : vector<16xf32>
    %xor3A_197 = arith.constant 2 : i32
    %xor3A_198 = vector.broadcast %xor3A_197 : i32 to vector<16xi32>
    %xor3A_199 = arith.xori %iota3A_182, %xor3A_198 : vector<16xi32>
    %lt3A_200 = arith.constant 0 : i32
    %lt3A_201 = vector.broadcast %lt3A_200 : i32 to vector<16xi32>
    %lt3A_202 = arith.cmpi slt, %xor3A_199, %lt3A_201 : vector<16xi32>
    %add3A_203 = arith.constant 16 : i32
    %add3A_204 = vector.broadcast %add3A_203 : i32 to vector<16xi32>
    %add3A_205 = arith.addi %xor3A_199, %add3A_204 : vector<16xi32>
    %select_n3A_206 = arith.select %lt3A_202, %add3A_205, %xor3A_199 : vector<16xi1>, vector<16xi32>
    %broadcast_in_dim3A_207 = vector.shape_cast %select_n3A_206 : vector<16xi32> to vector<16x1xi32>
    %gather3A_208 = vector.shape_cast %broadcast_in_dim3A_207 : vector<16x1xi32> to vector<16xi32>
    %gather3A_209 = tpu.dynamic_gather %min3A_196[%gather3A_208] in [0] : vector<16xf32>, vector<16xi32> -> vector<16xf32>
    %min3A_210 = arith.minimumf %min3A_196, %gather3A_209 : vector<16xf32>
    %xor3A_211 = arith.constant 4 : i32
    %xor3A_212 = vector.broadcast %xor3A_211 : i32 to vector<16xi32>
    %xor3A_213 = arith.xori %iota3A_182, %xor3A_212 : vector<16xi32>
    %lt3A_214 = arith.constant 0 : i32
    %lt3A_215 = vector.broadcast %lt3A_214 : i32 to vector<16xi32>
    %lt3A_216 = arith.cmpi slt, %xor3A_213, %lt3A_215 : vector<16xi32>
    %add3A_217 = arith.constant 16 : i32
    %add3A_218 = vector.broadcast %add3A_217 : i32 to vector<16xi32>
    %add3A_219 = arith.addi %xor3A_213, %add3A_218 : vector<16xi32>
    %select_n3A_220 = arith.select %lt3A_216, %add3A_219, %xor3A_213 : vector<16xi1>, vector<16xi32>
    %broadcast_in_dim3A_221 = vector.shape_cast %select_n3A_220 : vector<16xi32> to vector<16x1xi32>
    %gather3A_222 = vector.shape_cast %broadcast_in_dim3A_221 : vector<16x1xi32> to vector<16xi32>
    %gather3A_223 = tpu.dynamic_gather %min3A_210[%gather3A_222] in [0] : vector<16xf32>, vector<16xi32> -> vector<16xf32>
    %min3A_224 = arith.minimumf %min3A_210, %gather3A_223 : vector<16xf32>
    %xor3A_225 = arith.constant 8 : i32
    %xor3A_226 = vector.broadcast %xor3A_225 : i32 to vector<16xi32>
    %xor3A_227 = arith.xori %iota3A_182, %xor3A_226 : vector<16xi32>
    %lt3A_228 = arith.constant 0 : i32
    %lt3A_229 = vector.broadcast %lt3A_228 : i32 to vector<16xi32>
    %lt3A_230 = arith.cmpi slt, %xor3A_227, %lt3A_229 : vector<16xi32>
    %add3A_231 = arith.constant 16 : i32
    %add3A_232 = vector.broadcast %add3A_231 : i32 to vector<16xi32>
    %add3A_233 = arith.addi %xor3A_227, %add3A_232 : vector<16xi32>
    %select_n3A_234 = arith.select %lt3A_230, %add3A_233, %xor3A_227 : vector<16xi1>, vector<16xi32>
    %broadcast_in_dim3A_235 = vector.shape_cast %select_n3A_234 : vector<16xi32> to vector<16x1xi32>
    %gather3A_236 = vector.shape_cast %broadcast_in_dim3A_235 : vector<16x1xi32> to vector<16xi32>
    %gather3A_237 = tpu.dynamic_gather %min3A_224[%gather3A_236] in [0] : vector<16xf32>, vector<16xi32> -> vector<16xf32>
    %min3A_238 = arith.minimumf %min3A_224, %gather3A_237 : vector<16xf32>
    %mul3A_239 = arith.constant 16 : i32
    %mul3A_240 = vector.broadcast %mul3A_239 : i32 to vector<16xi32>
    %mul3A_241 = arith.muli %iota3A, %mul3A_240 : vector<16xi32>
    %add3A_242 = arith.constant 1 : i32
    %add3A_243 = vector.broadcast %add3A_242 : i32 to vector<16xi32>
    %add3A_244 = arith.addi %mul3A_241, %add3A_243 : vector<16xi32>
    %gather3A_245 = tpu.vector_load_idx %arg17[%add3A_244] : memref<256xf32, #tpu.memory_space<vmem>>[vector<16xi32>], vector<16xf32>,
    %iota3A_246 = tpu.iota {dimensions = array<i32: 0>} : vector<16xi32>
    %xor3A_247 = arith.constant 1 : i32
    %xor3A_248 = vector.broadcast %xor3A_247 : i32 to vector<16xi32>
    %xor3A_249 = arith.xori %iota3A_246, %xor3A_248 : vector<16xi32>
    %lt3A_250 = arith.constant 0 : i32
    %lt3A_251 = vector.broadcast %lt3A_250 : i32 to vector<16xi32>
    %lt3A_252 = arith.cmpi slt, %xor3A_249, %lt3A_251 : vector<16xi32>
    %add3A_253 = arith.constant 16 : i32
    %add3A_254 = vector.broadcast %add3A_253 : i32 to vector<16xi32>
    %add3A_255 = arith.addi %xor3A_249, %add3A_254 : vector<16xi32>
    %select_n3A_256 = arith.select %lt3A_252, %add3A_255, %xor3A_249 : vector<16xi1>, vector<16xi32>
    %broadcast_in_dim3A_257 = vector.shape_cast %select_n3A_256 : vector<16xi32> to vector<16x1xi32>
    %gather3A_258 = vector.shape_cast %broadcast_in_dim3A_257 : vector<16x1xi32> to vector<16xi32>
    %gather3A_259 = tpu.dynamic_gather %gather3A_245[%gather3A_258] in [0] : vector<16xf32>, vector<16xi32> -> vector<16xf32>
    %max3A_260 = arith.maximumf %gather3A_245, %gather3A_259 : vector<16xf32>
    %xor3A_261 = arith.constant 2 : i32
    %xor3A_262 = vector.broadcast %xor3A_261 : i32 to vector<16xi32>
    %xor3A_263 = arith.xori %iota3A_246, %xor3A_262 : vector<16xi32>
    %lt3A_264 = arith.constant 0 : i32
    %lt3A_265 = vector.broadcast %lt3A_264 : i32 to vector<16xi32>
    %lt3A_266 = arith.cmpi slt, %xor3A_263, %lt3A_265 : vector<16xi32>
    %add3A_267 = arith.constant 16 : i32
    %add3A_268 = vector.broadcast %add3A_267 : i32 to vector<16xi32>
    %add3A_269 = arith.addi %xor3A_263, %add3A_268 : vector<16xi32>
    %select_n3A_270 = arith.select %lt3A_266, %add3A_269, %xor3A_263 : vector<16xi1>, vector<16xi32>
    %broadcast_in_dim3A_271 = vector.shape_cast %select_n3A_270 : vector<16xi32> to vector<16x1xi32>
    %gather3A_272 = vector.shape_cast %broadcast_in_dim3A_271 : vector<16x1xi32> to vector<16xi32>
    %gather3A_273 = tpu.dynamic_gather %max3A_260[%gather3A_272] in [0] : vector<16xf32>, vector<16xi32> -> vector<16xf32>
    %max3A_274 = arith.maximumf %max3A_260, %gather3A_273 : vector<16xf32>
    %xor3A_275 = arith.constant 4 : i32
    %xor3A_276 = vector.broadcast %xor3A_275 : i32 to vector<16xi32>
    %xor3A_277 = arith.xori %iota3A_246, %xor3A_276 : vector<16xi32>
    %lt3A_278 = arith.constant 0 : i32
    %lt3A_279 = vector.broadcast %lt3A_278 : i32 to vector<16xi32>
    %lt3A_280 = arith.cmpi slt, %xor3A_277, %lt3A_279 : vector<16xi32>
    %add3A_281 = arith.constant 16 : i32
    %add3A_282 = vector.broadcast %add3A_281 : i32 to vector<16xi32>
    %add3A_283 = arith.addi %xor3A_277, %add3A_282 : vector<16xi32>
    %select_n3A_284 = arith.select %lt3A_280, %add3A_283, %xor3A_277 : vector<16xi1>, vector<16xi32>
    %broadcast_in_dim3A_285 = vector.shape_cast %select_n3A_284 : vector<16xi32> to vector<16x1xi32>
    %gather3A_286 = vector.shape_cast %broadcast_in_dim3A_285 : vector<16x1xi32> to vector<16xi32>
    %gather3A_287 = tpu.dynamic_gather %max3A_274[%gather3A_286] in [0] : vector<16xf32>, vector<16xi32> -> vector<16xf32>
    %max3A_288 = arith.maximumf %max3A_274, %gather3A_287 : vector<16xf32>
    %xor3A_289 = arith.constant 8 : i32
    %xor3A_290 = vector.broadcast %xor3A_289 : i32 to vector<16xi32>
    %xor3A_291 = arith.xori %iota3A_246, %xor3A_290 : vector<16xi32>
    %lt3A_292 = arith.constant 0 : i32
    %lt3A_293 = vector.broadcast %lt3A_292 : i32 to vector<16xi32>
    %lt3A_294 = arith.cmpi slt, %xor3A_291, %lt3A_293 : vector<16xi32>
    %add3A_295 = arith.constant 16 : i32
    %add3A_296 = vector.broadcast %add3A_295 : i32 to vector<16xi32>
    %add3A_297 = arith.addi %xor3A_291, %add3A_296 : vector<16xi32>
    %select_n3A_298 = arith.select %lt3A_294, %add3A_297, %xor3A_291 : vector<16xi1>, vector<16xi32>
    %broadcast_in_dim3A_299 = vector.shape_cast %select_n3A_298 : vector<16xi32> to vector<16x1xi32>
    %gather3A_300 = vector.shape_cast %broadcast_in_dim3A_299 : vector<16x1xi32> to vector<16xi32>
    %gather3A_301 = tpu.dynamic_gather %max3A_288[%gather3A_300] in [0] : vector<16xf32>, vector<16xi32> -> vector<16xf32>
    %max3A_302 = arith.maximumf %max3A_288, %gather3A_301 : vector<16xf32>
    %get3A_303 = arith.constant 0 : index
    %get3A_304 = tpu.vector_load %arg17[%get3A_303] {strides = array<i32>} : memref<256xf32, #tpu.memory_space<vmem>>, vector<16xf32>,
    %broadcast_in_dim3A_305 = arith.constant 0 : i32
    %broadcast_in_dim3A_306 = vector.broadcast %broadcast_in_dim3A_305 : i32 to vector<16xi32>
    %add3A_307 = arith.constant 2 : i32
    %add3A_308 = vector.broadcast %add3A_307 : i32 to vector<16xi32>
    %add3A_309 = arith.addi %broadcast_in_dim3A_306, %add3A_308 : vector<16xi32>
    %lt3A_310 = arith.constant 0 : i32
    %lt3A_311 = vector.broadcast %lt3A_310 : i32 to vector<16xi32>
    %lt3A_312 = arith.cmpi slt, %add3A_309, %lt3A_311 : vector<16xi32>
    %add3A_313 = arith.constant 16 : i32
    %add3A_314 = vector.broadcast %add3A_313 : i32 to vector<16xi32>
    %add3A_315 = arith.addi %add3A_309, %add3A_314 : vector<16xi32>
    %select_n3A_316 = arith.select %lt3A_312, %add3A_315, %add3A_309 : vector<16xi1>, vector<16xi32>
    %broadcast_in_dim3A_317 = vector.shape_cast %select_n3A_316 : vector<16xi32> to vector<16x1xi32>
    %gather3A_318 = vector.shape_cast %broadcast_in_dim3A_317 : vector<16x1xi32> to vector<16xi32>
    %gather3A_319 = tpu.dynamic_gather %get3A_304[%gather3A_318] in [0] : vector<16xf32>, vector<16xi32> -> vector<16xf32>
    %broadcast_in_dim3A_320 = arith.constant 0 : i32
    %broadcast_in_dim3A_321 = vector.broadcast %broadcast_in_dim3A_320 : i32 to vector<16xi32>
    %add3A_322 = arith.constant 3 : i32
    %add3A_323 = vector.broadcast %add3A_322 : i32 to vector<16xi32>
    %add3A_324 = arith.addi %broadcast_in_dim3A_321, %add3A_323 : vector<16xi32>
    %lt3A_325 = arith.constant 0 : i32
    %lt3A_326 = vector.broadcast %lt3A_325 : i32 to vector<16xi32>
    %lt3A_327 = arith.cmpi slt, %add3A_324, %lt3A_326 : vector<16xi32>
    %add3A_328 = arith.constant 16 : i32
    %add3A_329 = vector.broadcast %add3A_328 : i32 to vector<16xi32>
    %add3A_330 = arith.addi %add3A_324, %add3A_329 : vector<16xi32>
    %select_n3A_331 = arith.select %lt3A_327, %add3A_330, %add3A_324 : vector<16xi1>, vector<16xi32>
    %broadcast_in_dim3A_332 = vector.shape_cast %select_n3A_331 : vector<16xi32> to vector<16x1xi32>
    %gather3A_333 = vector.shape_cast %broadcast_in_dim3A_332 : vector<16x1xi32> to vector<16xi32>
    %gather3A_334 = tpu.dynamic_gather %get3A_304[%gather3A_333] in [0] : vector<16xf32>, vector<16xi32> -> vector<16xf32>
    "tpu.trace_stop"() : () -> ()
    "tpu.trace_start"() <{level = 10 : i32, message = "ph4_pass1"}> : () -> ()
    %ne3A = arith.cmpf one, %min3A_238, %max3A_302 : vector<16xf32>
    %broadcast_in_dim3A_335 = arith.constant 0 : i32
    %broadcast_in_dim3A_336 = vector.broadcast %broadcast_in_dim3A_335 : i32 to vector<16xi32>
    %scan3A_337 = arith.constant 0 : i32
    %scan3A_338 = arith.constant 200 : i32
    %scan3A_339 = arith.addi %scan3A_337, %scan3A_338 : i32
    %scan3A_340 = arith.constant 1 : i32
    %scan3A_341 = scf.for %scan3A_435 = %scan3A_337 to %scan3A_339 step %scan3A_340 iter_args(%scan3A_436 = %broadcast_in_dim3A_336) -> (vector<16xi32>)  : i32 {
      %mul3A_437 = arith.constant 16 : i32
      %mul3A_438 = arith.muli %scan3A_435, %mul3A_437 : i32
      %add3A_439 = vector.broadcast %mul3A_438 : i32 to vector<16xi32>
      %add3A_440 = arith.addi %add3A_439, %iota3A : vector<16xi32>
      %mul3A_441 = arith.constant 2 : i32
      %mul3A_442 = vector.broadcast %mul3A_441 : i32 to vector<16xi32>
      %mul3A_443 = arith.muli %mul3A_442, %add3A_440 : vector<16xi32>
      %gather3A_444 = tpu.vector_load_idx %arg8[%mul3A_443] : memref<6400xf32, #tpu.memory_space<vmem>>[vector<16xi32>], vector<16xf32>,
      %add3A_445 = arith.constant 1 : i32
      %add3A_446 = vector.broadcast %add3A_445 : i32 to vector<16xi32>
      %add3A_447 = arith.addi %mul3A_443, %add3A_446 : vector<16xi32>
      %gather3A_448 = tpu.vector_load_idx %arg8[%add3A_447] : memref<6400xf32, #tpu.memory_space<vmem>>[vector<16xi32>], vector<16xf32>,
      %mul3A_449 = arith.constant 3200 : i32
      %mul3A_450 = arith.muli %arg1, %mul3A_449 : i32
      %add3A_451 = arith.addi %mul3A_450, %mul3A_438 : i32
      %add3A_452 = vector.broadcast %add3A_451 : i32 to vector<16xi32>
      %add3A_453 = arith.addi %add3A_452, %iota3A : vector<16xi32>
      %ne3A_454 = arith.cmpf one, %gather3A_444, %gather3A_448 : vector<16xf32>
      %eq3A_455 = arith.constant 50000 : i32
      %eq3A_456 = vector.broadcast %eq3A_455 : i32 to vector<16xi32>
      %eq3A_457 = arith.cmpi eq, %add3A_453, %eq3A_456 : vector<16xi32>
      %select_n3A_458 = arith.select %eq3A_457, %ne3A, %ne3A_454 : vector<16xi1>, vector<16xi1>
      %le3A = arith.constant 50000 : i32
      %le3A_459 = vector.broadcast %le3A : i32 to vector<16xi32>
      %le3A_460 = arith.cmpi sle, %add3A_453, %le3A_459 : vector<16xi32>
      %and3A_461 = arith.andi %select_n3A_458, %le3A_460 : vector<16xi1>
      %convert_element_type3A_462 = arith.extui %and3A_461 : vector<16xi1> to vector<16xi32>
      %broadcast_in_dim3A_463 = arith.constant true
      %broadcast_in_dim3A_464 = vector.broadcast %broadcast_in_dim3A_463 : i1 to vector<16xi1>
      %masked_cumsum3A_465 = tpu.scan <sum>, %convert_element_type3A_462 masked %broadcast_in_dim3A_464 : vector<16xi32>, vector<16xi1> -> vector<16xi32>
      %add3A_466 = arith.addi %scan3A_436, %masked_cumsum3A_465 : vector<16xi32>
      %sub3A_467 = arith.subi %add3A_466, %convert_element_type3A_462 : vector<16xi32>
      %swap3A_468 = arith.index_cast %mul3A_438 : i32 to index
      %swap3A_469 = tpu.vector_load %arg12[%swap3A_468] {strides = array<i32>} : memref<3200xi32, #tpu.memory_space<vmem>>, vector<16xi32>,
      tpu.vector_store %arg12[%swap3A_468], %sub3A_467 {strides = array<i32>} : memref<3200xi32, #tpu.memory_space<vmem>>, vector<16xi32>,
      %swap3A_470 = arith.index_cast %mul3A_438 : i32 to index
      %swap3A_471 = tpu.vector_load %arg11[%swap3A_470] {strides = array<i32>} : memref<3200xi32, #tpu.memory_space<vmem>>, vector<16xi32>,
      tpu.vector_store %arg11[%swap3A_470], %convert_element_type3A_462 {strides = array<i32>} : memref<3200xi32, #tpu.memory_space<vmem>>, vector<16xi32>,
      %broadcast_in_dim3A_472 = arith.constant 0 : i32
      %broadcast_in_dim3A_473 = vector.broadcast %broadcast_in_dim3A_472 : i32 to vector<16xi32>
      %add3A_474 = arith.constant 15 : i32
      %add3A_475 = vector.broadcast %add3A_474 : i32 to vector<16xi32>
      %add3A_476 = arith.addi %broadcast_in_dim3A_473, %add3A_475 : vector<16xi32>
      %lt3A_477 = arith.constant 0 : i32
      %lt3A_478 = vector.broadcast %lt3A_477 : i32 to vector<16xi32>
      %lt3A_479 = arith.cmpi slt, %add3A_476, %lt3A_478 : vector<16xi32>
      %add3A_480 = arith.constant 16 : i32
      %add3A_481 = vector.broadcast %add3A_480 : i32 to vector<16xi32>
      %add3A_482 = arith.addi %add3A_476, %add3A_481 : vector<16xi32>
      %select_n3A_483 = arith.select %lt3A_479, %add3A_482, %add3A_476 : vector<16xi1>, vector<16xi32>
      %broadcast_in_dim3A_484 = vector.shape_cast %select_n3A_483 : vector<16xi32> to vector<16x1xi32>
      %gather3A_485 = vector.shape_cast %broadcast_in_dim3A_484 : vector<16x1xi32> to vector<16xi32>
      %gather3A_486 = tpu.dynamic_gather %masked_cumsum3A_465[%gather3A_485] in [0] : vector<16xi32>, vector<16xi32> -> vector<16xi32>
      %add3A_487 = arith.addi %scan3A_436, %gather3A_486 : vector<16xi32>
      scf.yield %add3A_487 : vector<16xi32>
    }
    %scan3A_342 = arith.constant 200 : i32
    %eq3A_343 = arith.constant 0 : i32
    "tpu.trace_stop"() : () -> ()
    "tpu.trace_start"() <{level = 10 : i32, message = "ph5_fill_pub"}> : () -> ()
    %eq3A_344 = vector.broadcast %eq3A_343 : i32 to vector<16xi32>
    %eq3A_345 = arith.cmpi eq, %iota3A, %eq3A_344 : vector<16xi32>
    %jit3A = arith.constant 0 : i32
    %broadcast_in_dim3A_346 = vector.broadcast %jit3A : i32 to vector<16xi32>
    %select_n3A_347 = arith.select %eq3A_345, %scan3A_341, %broadcast_in_dim3A_346 : vector<16xi1>, vector<16xi32>
    %swap3A_348 = arith.constant 0 : index
    %swap3A_349 = tpu.vector_load %arg18[%swap3A_348] {strides = array<i32>} : memref<16xi32, #tpu.memory_space<vmem>>, vector<16xi32>,
    tpu.vector_store %arg18[%swap3A_348], %select_n3A_347 {strides = array<i32>} : memref<16xi32, #tpu.memory_space<vmem>>, vector<16xi32>,
    %mul3A_350 = arith.constant 16 : i32
    %mul3A_351 = arith.muli %arg1, %mul3A_350 : i32
    "tpu.region"() ({
      %run_scoped3A = tpu.sem_alloc : memref<!tpu.dma_semaphore, #tpu.memory_space<semaphore_mem>>
      %dma_start3A = tpu.memref_slice %arg21[%mul3A_351] : memref<256xi32, #tpu.memory_space<vmem_shared>> -> memref<16xi32, #tpu.memory_space<vmem_shared>>
      %dma_start3A_435 = tpu.memref_slice %arg21[%mul3A_351] : memref<256xi32, #tpu.memory_space<vmem_shared>> -> memref<16xi32, #tpu.memory_space<vmem_shared>>
      tpu.enqueue_dma source(%arg18 : memref<16xi32, #tpu.memory_space<vmem>>) target(%dma_start3A_435 : memref<16xi32, #tpu.memory_space<vmem_shared>>) target_semaphore(%run_scoped3A : memref<!tpu.dma_semaphore, #tpu.memory_space<semaphore_mem>>)
      %dma_wait3A_436 = tpu.memref_slice %arg21[%mul3A_351] : memref<256xi32, #tpu.memory_space<vmem_shared>> -> memref<16xi32, #tpu.memory_space<vmem_shared>>
      %dma_wait3A_437 = tpu.memref_slice %arg21[%mul3A_351] : memref<256xi32, #tpu.memory_space<vmem_shared>> -> memref<16xi32, #tpu.memory_space<vmem_shared>>
      tpu.wait_dma2 semaphore(%run_scoped3A : memref<!tpu.dma_semaphore, #tpu.memory_space<semaphore_mem>>) src(%arg18 : memref<16xi32, #tpu.memory_space<vmem>>) dst(%dma_wait3A_437 : memref<16xi32, #tpu.memory_space<vmem_shared>>)
      tpu.yield
    }) : () -> ()
    %jit3A_352 = arith.constant 2 : i32
    %eq3A_353 = arith.constant 0 : i32
    %eq3A_354 = arith.cmpi eq, %jit3A_352, %eq3A_353 : i32
    %jit3A_355 = arith.constant 1 : i32
    %select_n3A_356 = arith.select %eq3A_354, %jit3A_355, %jit3A_352 : i32
    %rem3A = vector.broadcast %select_n3A_356 : i32 to vector<16xi32>
    %rem3A_357 = arith.remsi %iota3A, %rem3A : vector<16xi32>
    %ne3A_358 = arith.constant 0 : i32
    %ne3A_359 = vector.broadcast %ne3A_358 : i32 to vector<16xi32>
    %ne3A_360 = arith.cmpi ne, %rem3A_357, %ne3A_359 : vector<16xi32>
    %lt3A_361 = arith.constant 0 : i32
    %lt3A_362 = vector.broadcast %lt3A_361 : i32 to vector<16xi32>
    %lt3A_363 = arith.cmpi slt, %rem3A_357, %lt3A_362 : vector<16xi32>
    %lt3A_364 = arith.constant 0 : i32
    %lt3A_365 = arith.cmpi slt, %select_n3A_356, %lt3A_364 : i32
    %ne3A_366 = vector.broadcast %lt3A_365 : i1 to vector<16xi1>
    %ne3A_367 = vector.broadcast %ne3A_366 : vector<16xi1> to vector<16xi1>
    %ne3A_368 = arith.xori %lt3A_363, %ne3A_367 : vector<16xi1>
    %and3A = arith.andi %ne3A_368, %ne3A_360 : vector<16xi1>
    %add3A_369 = vector.broadcast %select_n3A_356 : i32 to vector<16xi32>
    %add3A_370 = arith.addi %rem3A_357, %add3A_369 : vector<16xi32>
    %select_n3A_371 = arith.select %and3A, %add3A_370, %rem3A_357 : vector<16xi1>, vector<16xi32>
    %eq3A_372 = arith.constant 0 : i32
    %eq3A_373 = vector.broadcast %eq3A_372 : i32 to vector<16xi32>
    %eq3A_374 = arith.cmpi eq, %select_n3A_371, %eq3A_373 : vector<16xi32>
    %select_n3A_375 = arith.select %eq3A_374, %gather3A_319, %gather3A_334 : vector<16xi1>, vector<16xf32>
    %scan3A_376 = arith.constant 0 : i32
    %scan3A_377 = arith.constant 0 : i32
    %scan3A_378 = arith.constant 400 : i32
    %scan3A_379 = arith.addi %scan3A_377, %scan3A_378 : i32
    %scan3A_380 = arith.constant 1 : i32
    scf.for %scan3A_435 = %scan3A_377 to %scan3A_379 step %scan3A_380  : i32 {
      %mul3A_436 = arith.constant 16 : i32
      %mul3A_437 = arith.muli %scan3A_435, %mul3A_436 : i32
      %swap3A_438 = arith.index_cast %mul3A_437 : i32 to index
      %swap3A_439 = tpu.vector_load %arg13[%swap3A_438] {strides = array<i32>} : memref<6400xf32, #tpu.memory_space<vmem>>, vector<16xf32>,
      tpu.vector_store %arg13[%swap3A_438], %select_n3A_375 {strides = array<i32>} : memref<6400xf32, #tpu.memory_space<vmem>>, vector<16xf32>,
    }
    %scan3A_381 = arith.constant 400 : i32
    %mul3A_382 = arith.constant 6400 : i32
    %mul3A_383 = arith.muli %arg1, %mul3A_382 : i32
    "tpu.region"() ({
      %run_scoped3A = tpu.sem_alloc : memref<!tpu.dma_semaphore, #tpu.memory_space<semaphore_mem>>
      %dma_start3A = tpu.memref_slice %arg5[%mul3A_383] : memref<102400xf32, #tpu.memory_space<hbm>> -> memref<6400xf32, #tpu.memory_space<hbm>>
      %dma_start3A_435 = tpu.memref_slice %arg5[%mul3A_383] : memref<102400xf32, #tpu.memory_space<hbm>> -> memref<6400xf32, #tpu.memory_space<hbm>>
      tpu.enqueue_dma source(%arg13 : memref<6400xf32, #tpu.memory_space<vmem>>) target(%dma_start3A_435 : memref<6400xf32, #tpu.memory_space<hbm>>) target_semaphore(%run_scoped3A : memref<!tpu.dma_semaphore, #tpu.memory_space<semaphore_mem>>)
      %dma_wait3A_436 = tpu.memref_slice %arg5[%mul3A_383] : memref<102400xf32, #tpu.memory_space<hbm>> -> memref<6400xf32, #tpu.memory_space<hbm>>
      %dma_wait3A_437 = tpu.memref_slice %arg5[%mul3A_383] : memref<102400xf32, #tpu.memory_space<hbm>> -> memref<6400xf32, #tpu.memory_space<hbm>>
      tpu.wait_dma2 semaphore(%run_scoped3A : memref<!tpu.dma_semaphore, #tpu.memory_space<semaphore_mem>>) src(%arg13 : memref<6400xf32, #tpu.memory_space<vmem>>) dst(%dma_wait3A_437 : memref<6400xf32, #tpu.memory_space<hbm>>)
      tpu.yield
    }) : () -> ()
    "tpu.trace_stop"() : () -> ()
    "tpu.trace_start"() <{level = 10 : i32, message = "ph6_barrier2"}> : () -> ()
    %barrier3A_384 = arith.constant 0 : index
    tpu.barrier barrier_id(%barrier3A_384)
    "tpu.trace_stop"() : () -> ()
    "tpu.trace_start"() <{level = 10 : i32, message = "ph7_pass2"}> : () -> ()
    "tpu.region"() ({
      %run_scoped3A = tpu.sem_alloc : memref<!tpu.dma_semaphore, #tpu.memory_space<semaphore_mem>>
      tpu.enqueue_dma source(%arg21 : memref<256xi32, #tpu.memory_space<vmem_shared>>) target(%arg19 : memref<256xi32, #tpu.memory_space<vmem>>) target_semaphore(%run_scoped3A : memref<!tpu.dma_semaphore, #tpu.memory_space<semaphore_mem>>)
      tpu.wait_dma2 semaphore(%run_scoped3A : memref<!tpu.dma_semaphore, #tpu.memory_space<semaphore_mem>>) src(%arg21 : memref<256xi32, #tpu.memory_space<vmem_shared>>) dst(%arg19 : memref<256xi32, #tpu.memory_space<vmem>>)
      tpu.yield
    }) : () -> ()
    %mul3A_385 = arith.constant 16 : i32
    %mul3A_386 = vector.broadcast %mul3A_385 : i32 to vector<16xi32>
    %mul3A_387 = arith.muli %iota3A, %mul3A_386 : vector<16xi32>
    %gather3A_388 = tpu.vector_load_idx %arg19[%mul3A_387] : memref<256xi32, #tpu.memory_space<vmem>>[vector<16xi32>], vector<16xi32>,
    %broadcast_in_dim3A_389 = arith.constant true
    %broadcast_in_dim3A_390 = vector.broadcast %broadcast_in_dim3A_389 : i1 to vector<16xi1>
    %masked_cumsum3A = tpu.scan <sum>, %gather3A_388 masked %broadcast_in_dim3A_390 : vector<16xi32>, vector<16xi1> -> vector<16xi32>
    %sub3A = arith.subi %masked_cumsum3A, %gather3A_388 : vector<16xi32>
    %broadcast_in_dim3A_391 = arith.constant 0 : i32
    %broadcast_in_dim3A_392 = vector.broadcast %broadcast_in_dim3A_391 : i32 to vector<16xi32>
    %add3A_393 = vector.broadcast %arg1 : i32 to vector<16xi32>
    %add3A_394 = arith.addi %broadcast_in_dim3A_392, %add3A_393 : vector<16xi32>
    %lt3A_395 = arith.constant 0 : i32
    %lt3A_396 = vector.broadcast %lt3A_395 : i32 to vector<16xi32>
    %lt3A_397 = arith.cmpi slt, %add3A_394, %lt3A_396 : vector<16xi32>
    %add3A_398 = arith.constant 16 : i32
    %add3A_399 = vector.broadcast %add3A_398 : i32 to vector<16xi32>
    %add3A_400 = arith.addi %add3A_394, %add3A_399 : vector<16xi32>
    %select_n3A_401 = arith.select %lt3A_397, %add3A_400, %add3A_394 : vector<16xi1>, vector<16xi32>
    %broadcast_in_dim3A_402 = vector.shape_cast %select_n3A_401 : vector<16xi32> to vector<16x1xi32>
    %gather3A_403 = vector.shape_cast %broadcast_in_dim3A_402 : vector<16x1xi32> to vector<16xi32>
    %gather3A_404 = tpu.dynamic_gather %sub3A[%gather3A_403] in [0] : vector<16xi32>, vector<16xi32> -> vector<16xi32>
    %eq3A_405 = arith.constant 15 : i32
    %eq3A_406 = arith.cmpi eq, %arg1, %eq3A_405 : i32
    %convert_element_type3A_407 = arith.extui %eq3A_406 : i1 to i32
    %cond3A_408 = arith.constant 0 : i32
    %cond3A_409 = arith.cmpi ne, %convert_element_type3A_407, %cond3A_408 : i32
    scf.if %cond3A_409 {
      %eq3A_435 = arith.constant 0 : i32
      %eq3A_436 = vector.broadcast %eq3A_435 : i32 to vector<16xi32>
      %eq3A_437 = arith.cmpi eq, %iota3A, %eq3A_436 : vector<16xi32>
      %select_n3A_438 = arith.select %eq3A_437, %min3A_238, %max3A_302 : vector<16xi1>, vector<16xf32>
      %add3A_439 = arith.constant 4000 : i32
      %add3A_440 = vector.broadcast %add3A_439 : i32 to vector<16xi32>
      %add3A_441 = arith.addi %add3A_440, %iota3A : vector<16xi32>
      %lt3A_442 = arith.constant 2 : i32
      %lt3A_443 = vector.broadcast %lt3A_442 : i32 to vector<16xi32>
      %lt3A_444 = arith.cmpi slt, %iota3A, %lt3A_443 : vector<16xi32>
      tpu.vector_store_idx %arg8[%add3A_441], %select_n3A_438 masked %lt3A_444 : memref<6400xf32, #tpu.memory_space<vmem>>[vector<16xi32>], vector<16xf32>, vector<16xi1>
    } else {
    }
    %add3A_410 = arith.constant 50100 : i32
    %add3A_411 = arith.addi %add3A_410, %arg1 : i32
    %mul3A_412 = arith.constant 2 : i32
    %mul3A_413 = arith.muli %mul3A_412, %add3A_411 : i32
    %scan3A_414 = arith.constant 0 : i32
    %scan3A_415 = arith.constant 0 : i32
    %scan3A_416 = arith.constant 200 : i32
    %scan3A_417 = arith.addi %scan3A_415, %scan3A_416 : i32
    %scan3A_418 = arith.constant 1 : i32
    scf.for %scan3A_435 = %scan3A_415 to %scan3A_417 step %scan3A_418  : i32 {
      %mul3A_436 = arith.constant 16 : i32
      %mul3A_437 = arith.muli %scan3A_435, %mul3A_436 : i32
      %get3A_438 = arith.index_cast %mul3A_437 : i32 to index
      %get3A_439 = tpu.vector_load %arg11[%get3A_438] {strides = array<i32>} : memref<3200xi32, #tpu.memory_space<vmem>>, vector<16xi32>,
      %get3A_440 = arith.index_cast %mul3A_437 : i32 to index
      %get3A_441 = tpu.vector_load %arg12[%get3A_440] {strides = array<i32>} : memref<3200xi32, #tpu.memory_space<vmem>>, vector<16xi32>,
      %add3A_442 = arith.addi %gather3A_404, %get3A_441 : vector<16xi32>
      %mul3A_443 = arith.constant 2 : i32
      %mul3A_444 = vector.broadcast %mul3A_443 : i32 to vector<16xi32>
      %mul3A_445 = arith.muli %mul3A_444, %add3A_442 : vector<16xi32>
      %gt3A = arith.constant 0 : i32
      %gt3A_446 = vector.broadcast %gt3A : i32 to vector<16xi32>
      %gt3A_447 = arith.cmpi sgt, %get3A_439, %gt3A_446 : vector<16xi32>
      %add3A_448 = vector.broadcast %mul3A_437 : i32 to vector<16xi32>
      %add3A_449 = arith.addi %add3A_448, %iota3A : vector<16xi32>
      %mul3A_450 = arith.constant 2 : i32
      %mul3A_451 = vector.broadcast %mul3A_450 : i32 to vector<16xi32>
      %mul3A_452 = arith.muli %mul3A_451, %add3A_449 : vector<16xi32>
      %broadcast_in_dim3A_453 = vector.broadcast %mul3A_413 : i32 to vector<16xi32>
      %select_n3A_454 = arith.select %gt3A_447, %mul3A_445, %broadcast_in_dim3A_453 : vector<16xi1>, vector<16xi32>
      tpu.vector_store_idx %arg9[%mul3A_452], %select_n3A_454 : memref<6400xi32, #tpu.memory_space<vmem>>[vector<16xi32>], vector<16xi32>,
      %add3A_455 = arith.constant 1 : i32
      %add3A_456 = vector.broadcast %add3A_455 : i32 to vector<16xi32>
      %add3A_457 = arith.addi %mul3A_452, %add3A_456 : vector<16xi32>
      %add3A_458 = arith.constant 1 : i32
      %add3A_459 = vector.broadcast %add3A_458 : i32 to vector<16xi32>
      %add3A_460 = arith.addi %mul3A_445, %add3A_459 : vector<16xi32>
      %add3A_461 = arith.constant 1 : i32
      %add3A_462 = arith.addi %mul3A_413, %add3A_461 : i32
      %broadcast_in_dim3A_463 = vector.broadcast %add3A_462 : i32 to vector<16xi32>
      %select_n3A_464 = arith.select %gt3A_447, %add3A_460, %broadcast_in_dim3A_463 : vector<16xi1>, vector<16xi32>
      tpu.vector_store_idx %arg9[%add3A_457], %select_n3A_464 : memref<6400xi32, #tpu.memory_space<vmem>>[vector<16xi32>], vector<16xi32>,
    }
    %scan3A_419 = arith.constant 200 : i32
    "tpu.trace_stop"() : () -> ()
    "tpu.trace_start"() <{level = 10 : i32, message = "ph8_scatter"}> : () -> ()
    %scan3A_420 = arith.constant 0 : i32
    %scan3A_421 = arith.constant 0 : i32
    %scan3A_422 = arith.constant 50 : i32
    %scan3A_423 = arith.addi %scan3A_421, %scan3A_422 : i32
    %scan3A_424 = arith.constant 1 : i32
    scf.for %scan3A_435 = %scan3A_421 to %scan3A_423 step %scan3A_424  : i32 {
      %mul3A_436 = arith.constant 128 : i32
      %mul3A_437 = arith.muli %scan3A_435, %mul3A_436 : i32
      %mul3A_438 = arith.constant 128 : i32
      %mul3A_439 = arith.muli %scan3A_435, %mul3A_438 : i32
      %dma_start3A = tpu.memref_slice %arg8[%mul3A_437] : memref<6400xf32, #tpu.memory_space<vmem>> -> memref<128xf32, #tpu.memory_space<vmem>>
      %dma_start3A_440 = tpu.memref_slice %arg9[%mul3A_439] : memref<6400xi32, #tpu.memory_space<vmem>> -> memref<128xi32, #tpu.memory_space<vmem>>
      %dma_start3A_441 = arith.constant 0 : i32
      %dma_start3A_442 = tpu.memref_slice %arg5[%dma_start3A_441] : memref<102400xf32, #tpu.memory_space<hbm>> -> memref<102400xf32, #tpu.memory_space<hbm>>
      tpu.enqueue_indirect_dma source(%dma_start3A : memref<128xf32, #tpu.memory_space<vmem>>) target(%dma_start3A_442 : memref<102400xf32, #tpu.memory_space<hbm>>) offsets(%dma_start3A_440 : memref<128xi32, #tpu.memory_space<vmem>>) semaphore(%arg23 : memref<!tpu.dma_semaphore, #tpu.memory_space<semaphore_mem>>)
    }
    %scan3A_425 = arith.constant 50 : i32
    %dma_wait3A_426 = arith.constant 0 : i32
    %dma_wait3A_427 = tpu.memref_slice %arg5[%dma_wait3A_426] : memref<102400xf32, #tpu.memory_space<hbm>> -> memref<6400xf32, #tpu.memory_space<hbm>>
    %dma_wait3A_428 = arith.constant 0 : i32
    %dma_wait3A_429 = tpu.memref_slice %arg5[%dma_wait3A_428] : memref<102400xf32, #tpu.memory_space<hbm>> -> memref<6400xf32, #tpu.memory_space<hbm>>
    tpu.wait_dma2 semaphore(%arg23 : memref<!tpu.dma_semaphore, #tpu.memory_space<semaphore_mem>>) src(%arg8 : memref<6400xf32, #tpu.memory_space<vmem>>) dst(%dma_wait3A_429 : memref<6400xf32, #tpu.memory_space<hbm>>)
    %eq3A_430 = arith.constant 0 : i32
    %eq3A_431 = arith.cmpi eq, %arg1, %eq3A_430 : i32
    %convert_element_type3A_432 = arith.extui %eq3A_431 : i1 to i32
    %cond3A_433 = arith.constant 0 : i32
    %cond3A_434 = arith.cmpi ne, %convert_element_type3A_432, %cond3A_433 : i32
    scf.if %cond3A_434 {
      %dma_wait3A_435 = arith.constant 0 : i32
      %dma_wait3A_436 = tpu.memref_slice %arg2[%dma_wait3A_435] : memref<100352xf32, #tpu.memory_space<hbm>> -> memref<16xf32, #tpu.memory_space<hbm>>
      %dma_wait3A_437 = arith.constant 0 : i32
      %dma_wait3A_438 = tpu.memref_slice %arg2[%dma_wait3A_437] : memref<100352xf32, #tpu.memory_space<hbm>> -> memref<16xf32, #tpu.memory_space<hbm>>
      tpu.wait_dma2 semaphore(%arg24 : memref<!tpu.dma_semaphore, #tpu.memory_space<semaphore_mem>>) src(%dma_wait3A_438 : memref<16xf32, #tpu.memory_space<hbm>>) dst(%arg15 : memref<16xf32, #tpu.memory_space<vmem>>)
      "tpu.region"() ({
        %run_scoped3A = tpu.sem_alloc : memref<!tpu.dma_semaphore, #tpu.memory_space<semaphore_mem>>
        tpu.enqueue_dma source(%arg15 : memref<16xf32, #tpu.memory_space<vmem>>) target(%arg6 : memref<16xf32, #tpu.memory_space<hbm>>) target_semaphore(%run_scoped3A : memref<!tpu.dma_semaphore, #tpu.memory_space<semaphore_mem>>)
        tpu.wait_dma2 semaphore(%run_scoped3A : memref<!tpu.dma_semaphore, #tpu.memory_space<semaphore_mem>>) src(%arg15 : memref<16xf32, #tpu.memory_space<vmem>>) dst(%arg6 : memref<16xf32, #tpu.memory_space<hbm>>)
        tpu.yield
      }) : () -> ()
    } else {
    }
    "tpu.trace_stop"() : () -> ()
    return
  }
}

</mosaic_0001>

<sc_bundles>
// kernel: kernel.3.cloned.1.call-start
scs
__scs_entry_jumppad:
0x0: {  	(pc) =	sbr.rel $0x88, $3  }
0x1: {  	(tag) =	ssettag $0x0;
	lr =	simm.s32 $0x1  }
0x2: {  	[smem:$0x3F9E] =	sst lr;
	_ =	strace $0xD0000000  }
0x3: {  	_ = 	snop  }
0x4: {  	_ = 	snop  }
0x5: {  	_ = 	snop  }
0x6: {  	_ = 	snop  }
0x7: {  	_ = 	snop  }
__scs_overlays_trampoline_lowered:
0x8: {  	[smem:$0x3FAD] =	sst s0  }
0x9: {  	[smem:$0x3FAE] =	sst s1  }
0xa: {  	[smem:$0x3FAF] =	sst s2  }
0xb: {  	[smem:$0x3FB0] =	sst s3  }
0xc: {  	[smem:$0x3FB1] =	sst s4  }
0xd: {  	[smem:$0x3FB2] =	sst s5  }
0xe: {  	[smem:$0x3FB3] =	sst s6  }
0xf: {  	[smem:$0x3FB4] =	sst s7  }
0x10: {  	[smem:$0x3FB5] =	sst s8  }
0x11: {  	[smem:$0x3FB6] =	sst s9;
	s0 =	simm.s32 @!p0 $0x0  }
0x12: {  	s1 =	sld [smem:$0x3F9C];
	s0 =	simm.s32 @p0 $0x1  }
0x13: {  	[smem:$0x3FB7] =	sst s0;
	s0 =	simm.s32 @!p1 $0x0  }
0x14: {  	s2 =	sld [smem:$0x3F9B];
	s0 =	simm.s32 @p1 $0x1  }
0x15: {  	[smem:$0x3FB8] =	sst s0;
	s0 =	simm.s32 @!p2 $0x0  }
0x16: {  	s3 =	sld [smem:$0x3FDB];
	s0 =	simm.s32 @p2 $0x1  }
0x17: {  	s4 =	simm.s32 $0x1BF5;
	[smem:$0x3FBA] =	sst s0  }
0x18: {  	s0 =	sld [smem:$0x3F9D];
	_ =	swait.ge [sflag:s4], $0x0  }
0x19: {  	s7 =	sld [smem:$0x3F9E]  }
0x1a: {  	s8 =	sadd.s32 $0xFFFFE003, lr  }
0x1b: {  	s9 =	sadd.s32 $0xFFFFFEF7, lr;
	s5 =	simm.s32 $0xFFFFFFFF;
	p2 =	slt.u32 s8, $0xFFFFF086  }
0x1c: {  	p1 =	slt.u32 s9, $0xF7A;
	s5 =	simm.s32 @!p2 $0x0  }
0x1d: {  	s5 =	simm.s32 @p1 $0x1;
	p0 =	seq.s32 s7, s2  }
0x1e: {  	s7 =	smul.u32 @!p0 $0xF7A, s2;
	p2 =	seq.s32 @!p0 s5, $0x0  }
0x1f: {  	s9 =	smul.u32 $0xF7A, s1;
	s8 =	simm.s32 @!p0 $0x1BF5;
	p2 =	por !p2, p0  }
0x20: {  	[sflag:s8] =	ssyncset.s32 @!p0 $0xFFFFF086;
	s6 =	sadd.s32 @!p0 s3, s7;
	s7 =	simm.s32 @!p0 $0x108  }
0x21: {  	s3 =	sadd.s32 s3, s9;
	s6 =	sadd.s32 @!p0 $0x88, s6;
	s7 =	simm.s32 @p2 $0x1082  }
0x22: {  	[simem:s7], [sflag:s8] =	dma.local @!p0 [hbm:s6], $0xF7A  }
0x23: {  	s9 =	sor.u32 $0xD0000000, s2;
	s6 =	simm.s32 $0x108;
	_ =	swait.ge @!p0 [sflag:s8], $0x0  }
0x24: {  	s3 =	sadd.s32 $0x88, s3;
	s6 =	simm.s32 @!p1 $0x1082;
	[sflag:s4] =	ssyncset.s32 $0xFFFFF086  }
0x25: {  	[simem:s6], [sflag:s4] =	dma.local [hbm:s3], $0xF7A  }
0x26: {  	[smem:$0x3F9E] =	sst s1;
	(tag) =	ssettag s2;
	_ =	strace s9  }
0x27: {  	s1 =	sld [smem:$0x3FAE]  }
0x28: {  	s2 =	sld [smem:$0x3FAF]  }
0x29: {  	s4 =	sld [smem:$0x3FB1]  }
0x2a: {  	p0 =	seq.s32 s5, $0x0;
	s5 =	sld [smem:$0x3FB2]  }
0x2b: {  	s6 =	sld [smem:$0x3FB3]  }
0x2c: {  	s7 =	sld [smem:$0x3FB4]  }
0x2d: {  	s3 =	simm.s32 $0x108;
	s8 =	sld [smem:$0x3FB5]  }
0x2e: {  	s3 =	simm.s32 @!p0 $0x1082;
	s9 =	sld [smem:$0x3FB6]  }
0x2f: {  	lr =	sadd.s32 s0, s3;
	s0 =	sld [smem:$0x3FAD]  }
0x30: {  	s3 =	sld [smem:$0x3FB0]  }
0x31: {  	[smem:$0x3FB9] =	sst s10  }
0x32: {  	s10 =	sld [smem:$0x3FB7];
	_ =	sdelay $0x3  }
0x33: {  	p0 =	seq.s32 s10, $0x1;
	s10 =	sld [smem:$0x3FB9];
	_ =	sdelay $0x3  }
0x34: {  	[smem:$0x3FB9] =	sst s10  }
0x35: {  	s10 =	sld [smem:$0x3FB8];
	_ =	sdelay $0x3  }
0x36: {  	p1 =	seq.s32 s10, $0x1;
	s10 =	sld [smem:$0x3FB9];
	_ =	sdelay $0x3  }
0x37: {  	[smem:$0x3FB9] =	sst s10  }
0x38: {  	s10 =	sld [smem:$0x3FBA]  }
0x39: {  	_ = 	snop;
	(pc) =	sbr.ind lr, $3  }
0x3a: {  	_ = 	snop  }
0x3b: {  	_ = 	snop  }
0x3c: {  	p2 =	seq.s32 s10, $0x1;
	s10 =	sld [smem:$0x3FB9]  }
0x3d: {  	_ =	shalt  }
0x3e: {  	_ =	shalt  }
0x3f: {  	_ =	shalt  }
0x40: {  	_ =	shalt  }
0x41: {  	_ =	shalt  }
0x42: {  	_ =	shalt  }
0x43: {  	_ =	shalt  }
0x44: {  	_ =	shalt  }
0x45: {  	_ =	shalt  }
0x46: {  	_ =	shalt  }
0x47: {  	_ =	shalt  }
0x48: {  	_ =	shalt  }
0x49: {  	_ =	shalt  }
0x4a: {  	_ =	shalt  }
0x4b: {  	_ =	shalt  }
0x4c: {  	_ =	shalt  }
0x4d: {  	_ =	shalt  }
0x4e: {  	_ =	shalt  }
0x4f: {  	_ =	shalt  }
0x50: {  	_ =	shalt  }
0x51: {  	_ =	shalt  }
0x52: {  	_ =	shalt  }
0x53: {  	_ =	shalt  }
0x54: {  	_ =	shalt  }
0x55: {  	_ =	shalt  }
0x56: {  	_ =	shalt  }
0x57: {  	_ =	shalt  }
0x58: {  	_ =	shalt  }
0x59: {  	_ =	shalt  }
0x5a: {  	_ =	shalt  }
0x5b: {  	_ =	shalt  }
0x5c: {  	_ =	shalt  }
0x5d: {  	_ =	shalt  }
0x5e: {  	_ =	shalt  }
0x5f: {  	_ =	shalt  }
0x60: {  	_ =	shalt  }
0x61: {  	_ =	shalt  }
0x62: {  	_ =	shalt  }
0x63: {  	_ =	shalt  }
0x64: {  	_ =	shalt  }
0x65: {  	_ =	shalt  }
0x66: {  	_ =	shalt  }
0x67: {  	_ =	shalt  }
0x68: {  	_ =	shalt  }
0x69: {  	_ =	shalt  }
0x6a: {  	_ =	shalt  }
0x6b: {  	_ =	shalt  }
0x6c: {  	_ =	shalt  }
0x6d: {  	_ =	shalt  }
0x6e: {  	_ =	shalt  }
0x6f: {  	_ =	shalt  }
0x70: {  	_ =	shalt  }
0x71: {  	_ =	shalt  }
0x72: {  	_ =	shalt  }
0x73: {  	_ =	shalt  }
0x74: {  	_ =	shalt  }
0x75: {  	_ =	shalt  }
0x76: {  	_ =	shalt  }
0x77: {  	_ =	shalt  }
0x78: {  	_ =	shalt  }
0x79: {  	_ =	shalt  }
0x7a: {  	_ =	shalt  }
0x7b: {  	_ =	shalt  }
0x7c: {  	_ =	shalt  }
0x7d: {  	_ =	shalt  }
0x7e: {  	_ =	shalt  }
0x7f: {  	_ =	shalt  }
0x80: {  	_ =	shalt  }
0x81: {  	_ =	shalt  }
0x82: {  	_ =	shalt  }
0x83: {  	_ =	shalt  }
0x84: {  	_ =	shalt  }
0x85: {  	_ =	shalt  }
0x86: {  	_ =	shalt  }
0x87: {  	_ =	shalt  }
.Lfunc_end0:
.L_simem_size_0:
called_computation_lowered:
.L_overlay_start_0:
0x88: {  	s0 =	sld [smem:$0x3FD9]  }
0x89: {  	s1 =	sld [smem:$0x3FFE];
	_ =	sdelay $0x3  }
0x8a: {  	s0 =	sadd.s32 s1, s0  }
0x8b: {  	[smem:$0x3FC5] =	sst s0  }
0x8c: {  	_ = 	snop  }
0x8d: {  	s0 =	sld [smem:$0x3FD0];
	_ =	sdelay $0x2  }
0x8e: {  	s13 =	simm.s32 $0xA;
	s2 =	simm.s32 $0x10  }
0x8f: {  	[smem:s2], [sflag:s13] =	dma.local [hbm:s0], $0x1  }
0x90: {  	_ =	swait.eq [sflag:s13], $0x1  }
0x91: {  	[sflag:s13] =	ssyncset.done $0x0  }
0x92: {  	s14 =	sld [smem:$0x10];
	[sflag:s13] =	ssyncadd.s32 $0xFFFFFFFF  }
0x93: {  	s15 =	sld [smem:$0x11];
	(tm) =	ssettm $0x1  }
0x94: {  	s16 =	sld [smem:$0x3FFB];
	_ =	sdelay $0x3  }
0x95: {  	_ =	strace s16  }
0x96: {  	s2 =	sld [smem:$0x3FFC];
	_ =	sdelay $0x3  }
0x97: {  	_ =	strace s2  }
0x98: {  	s2 =	sld [smem:$0x3FFD];
	_ =	sdelay $0x3  }
0x99: {  	_ =	strace s2  }
0x9a: {  	_ =	strace $0x8FFFFFFF  }
0x9b: {  	s17 =	sld [smem:$0x3FDB];
	_ =	sdelay $0x1  }
0x9c: {  	s3 =	simm.s32 $_scs_section_size  }
0x9d: {  	s4 =	simm.s32 $_size__tile_overlayer_lowered;
	s5 =	simm.s32 $_tile_overlayer_lowered  }
0x9e: {  	s20 =	simm.s32 $0x1BFF;
	s19 =	sshll.u32 s5, $0x1;
	s2 =	sadd.s32 s3, s17  }
0x9f: {  	s6 =	simm.s32 $0x0;
	s18 =	sshll.u32 s4, $0x1;
	s4 =	sadd.s32 s19, s2  }
0xa0: {  	[timem:s6], [sflag:s20] =	dma.local [hbm:s4], s18  }
0xa1: {  	_ =	swait.ge [sflag:s20], s18  }
0xa2: {  	s3 =	ssub.s32 $0x0, s18;
	[sflag:s20] =	ssyncset.done $0x0  }
0xa3: {  	[sflag:s20] =	ssyncadd.s32 s3;
	_ =	sdelay $0x1  }
0xa4: {  	s21 =	simm.s32 $0x1B8B  }
0xa5: {  	_ =	swait.ge [sflag:s21], $0x1  }
0xa6: {  	[sflag:s21] =	ssyncset.done $0x0  }
0xa7: {  	s23 =	simm.s32 $0x1B8E;
	s22 =	sld [smem:$0x3FFE];
	[sflag:s21] =	ssyncadd.s32 $0xFFFFFFFF  }
0xa8: {  	s24 =	simm.s32 $execute0_lowered;
	[smem:$0x3FD2] =	sst s23  }
0xa9: {  	s4 =	sshll.u32 s24, $0x1;
	_ =	strace $0x80000046;
	[dreg:$0x1] =	wrdreg $0xFFFFFFFF  }
0xaa: {  	s25 =	simm.s32 $_size_execute0_lowered;
	s2 =	sadd.s32 s2, s4;
	[dreg:$0x0] =	wrdreg $0x0  }
0xab: {  	s4 =	sshll.u32 s25, $0x1;
	[dreg:$0x2] =	wrdreg s2  }
0xac: {  	[dreg:$0x3] =	wrdreg s4  }
0xad: {  	[dreg:$0x4] =	wrdreg $0xC0  }
0xae: {  	_ =	task [dreg:s6], $0x5FFFF  }
0xaf: {  	[dreg:$0x1] =	wrdreg $0xFFFFFFFF  }
0xb0: {  	[dreg:$0x0] =	wrdreg $0x60  }
0xb1: {  	[dreg:$0x2] =	wrdreg s22  }
0xb2: {  	[dreg:$0x3] =	wrdreg s15  }
0xb3: {  	[dreg:$0x4] =	wrdreg s14  }
0xb4: {  	[dreg:$0x5] =	wrdreg $0x99800  }
0xb5: {  	[dreg:$0x6] =	wrdreg $0x99900  }
0xb6: {  	[dreg:$0x7] =	wrdreg $0x9  }
0xb7: {  	_ =	task.clear_ibuf [dreg:s6], $0x8FFFF;
	_ =	strace $0x90000046  }
0xb8: {  	s26 =	simm.s32 $0x9;
	_ =	strace $0x80000051  }
0xb9: {  	_ =	swait.ge [sflag:s26], $0x1  }
0xba: {  	[sflag:s26] =	ssyncadd.s32 $0xFFFFFFFF  }
0xbb: {  	_ =	strace $0x90000051  }
0xbc: {  	_ =	sfence  }
0xbd: {  	s28 =	sld [smem:$0x0];
	_ =	sdelay $0x1  }
0xbe: {  	s29 =	srdreg.scid  }
0xbf: {  	s30 =	sshll.u32 s29, $0xD;
	s31 =	sshrl.u32 s29, $0x2  }
0xc0: {  	s1 =	sand.u32 $0x1, s29;
	s2 =	sand.u32 $0x4000, s30;
	s0 =	sadd.s32 s31, s28  }
0xc1: {  	s1 =	sor.u32 s2, s1;
	s0 =	sshll.u32 s0, $0x11  }
0xc2: {  	s0 =	sor.u32 s0, s1  }
0xc3: {  	s0 =	sadd.s32 $0x8F2B, s0  }
0xc4: {  	[sflag:s0] =	ssyncadd.remote.s32 $0x1  }
0xc5: {  	_ =	sfence.sel $0xFFFF  }
0xc6: {  	[dreg:$0x0] =	wrdreg $0xFFFFFFFF;
	(pc) =	sbr.abs _section_cstart, $3  }
0xc7: {  	[dreg:$0x1] =	wrdreg $0xFFFFFFFF  }
0xc8: {  	_ =	task.clear_ibuf [dreg:s6], $0x2FFFF;
	_ =	strace $0x9FFFFFFF  }
0xc9: {  	(tm) =	ssettm $0x7FFFFFFF  }
tec
execute0_lowered:
.L_overlay_start_1:
0x0: {  	(tag) =	ssettag $0x1  }
0x1: {  	s2 =	rddreg [dreg:$0x0]  }
0x2: {  	s6 =	rddreg [dreg:$0x1]  }
0x3: {  	s1 =	rddreg [dreg:$0x2]  }
0x4: {  	s8 =	rddreg [dreg:$0x3];
	s3 =	stileid.u32  }
0x5: {  	s4 =	rddreg [dreg:$0x4];
	s7 =	simm.s32 $0x0;
	s5 =	smul.u32 $0x320, s3  }
0x6: {  	[smem:$0x7FF] =	sst s7  }
0x7: {  	s0 =	rddreg [dreg:$0x5];
	_ =	strace $0x80000047;
	s9 =	sadd.s32 s5, s2  }
0x8: {  	s31 =	simm.s32 $0x4;
	_ =	strace $0x80000048;
	s9 =	sadd.s32 $0x800, s9  }
0x9: {  	[tilespmem:s7], [sflag:$0x4] =	stream.linear.gather [hbm4b:s9+s7], $0x1900, $0x200038;
	[tilespmem:$0x99A0] =	vst v63  }
0xa: {  	s10 =	simm.s32 $0x200;
	s11 =	simm.s32 $0x0;
	_ =	swait.ge [sflag:s31], $0x1900  }
0xb: {  	s12 =	simm.s32 $0x1900;
	s7 =	sadd.s32 $0x3A00, s2;
	[sflag:s31] =	ssyncset.done $0x0  }
0xc: {  	s2 =	sadd.s32 $0x6C00, s2;
	s9 =	simm.s32 $0x80;
	[sflag:s31] =	ssyncadd.s32 $0xFFFFE700  }
.LBB2_1:
0xd: {  	[tilespmem:s12], [sflag:$0x1] =	stream.indirect.gather [hbm4b:s7+s9], $0x1, s11, s9, $0x2000b8;
	[tilespmem:$0x99A0] =	vst v63  }
0xe: {  	s11 =	smov.u32 s10;
	p0 =	sne.s32 s10, $0x6200  }
.Ltmp0:
0xf: {  	s10 =	sadd.s32 $0x200, s10;
	(pc) =	sbr.rel @p0 .LBB2_1-.Ltmp0, $3  }
0x10: {  	_ =	sdelay $0x1  }
0x11: {  	s11 =	sshra.s32 s11, $0x2  }
0x12: {  	s12 =	sadd.s32 $0x1900, s11  }
0x13: {  	[tilespmem:s12], [sflag:$0x1] =	stream.indirect.gather [hbm4b:s7+s9], $0x1, s11, s9, $0x2000b8;
	[tilespmem:$0x99A0] =	vst v63  }
0x14: {  	p0 =	sne.s32 s3, $0x0  }
0x15: {  	s9 =	simm.s32 @!p0 $0x0;
	s11 =	simm.s32 @!p0 $0x9580  }
0x16: {  	[tilespmem:s11], [sflag:$0x4] =	stream.linear.gather @!p0 [hbm4b:s6+s9], $0x80, $0x200038;
	[tilespmem:$0x99A0] =	vst v63  }
0x17: {  	s6 =	simm.s32 @!p0 $0x4  }
0x18: {  	_ =	swait.ge @!p0 [sflag:s6], $0x80  }
0x19: {  	s10 =	smul.u32 $0x1880, s3;
	s23 =	simm.s32 $0x0;
	[sflag:s6] =	ssyncset.done @!p0 $0x0  }
0x1a: {  	s12 =	simm.s32 @!p0 $0x9600;
	[sflag:s6] =	ssyncadd.s32 @!p0 $0xFFFFFF80;
	s6 =	simm.s32 @!p0 $0x10  }
0x1b: {  	[tilespmem:s12], [sflag:$0x3] =	stream.indirect.gather @!p0 [hbm4b:s7+s6], $0x1, s11, s6, $0x2000b8;
	[tilespmem:$0x99A0] =	vst v63  }
0x1c: {  	s24 =	simm.s32 $0x4B00;
	s21 =	sshrl.u32 s10, $0x3;
	_ =	strace $0x90000048  }
0x1d: {  	s25 =	simm.s32 $0x4;
	s22 =	sadd.s32 s7, s21;
	_ =	strace $0x80000049  }
0x1e: {  	[tilespmem:s24], [sflag:$0x4] =	stream.linear.gather [hbm4b:s22+s23], $0x1880, $0x200038;
	[tilespmem:$0x99A0] =	vst v63  }
0x1f: {  	_ =	swait.ge [sflag:s25], $0x1880  }
0x20: {  	[sflag:s25] =	ssyncset.done $0x0  }
0x21: {  	s26 =	simm.s32 $0x0;
	[sflag:s25] =	ssyncadd.s32 $0xFFFFE780  }
0x22: {  	v1 =	vld [tilespmem:s26+$0x4B00];
	_ =	sdelay $0x2  }
0x23: {  	s28 =	sshll.u32 s3, $0x4;
	s29 =	sshll.u32 s3, $0x1  }
0x24: {  	v2 =	vmov s3;
	v3 =	vimm.f32 $+Inf;
	v6 =	vimm.f32 $-Inf;
	s31 =	simm.s32 $0x10;
	s5 =	sadd.s32 s2, s5;
	s30 =	sadd.s32 $0x18768, s29  }
0x25: {  	s9 =	sadd.s32 s28, s8;
	v0 =	vmov s30;
	p1 =	slt.u32 s10, $0x186A0;
	s11 =	sadd.s32 $0x18769, s29;
	v5 =	vmin.f32 v3, v1;
	v7 =	vmax.f32 v6, v1  }
0x26: {  	s7 =	smul.u32 $0xC80, s3;
	s6 =	sadd.s32 s28, s4;
	v4 =	vld [tilespmem:s31+$0x4B00];
	v1 =	vmov s11;
	s11 =	simm.s32 $0x80;
	v5 =	vpsel p1, v5, v3;
	v3 =	vpsel p1, v7, v6  }
.LBB2_3:
0x27: {  	p1 =	sne.s32 s11, $0x61C0  }
.Ltmp1:
0x28: {  	_ = 	snop;
	(pc) =	sbr.rel @p1 .LBB2_3-.Ltmp1, $4  }
0x29: {  	_ = 	snop  }
0x2a: {  	s12 =	sshra.s32 s11, $0x2;
	s10 =	sadd.s32 $0x10, s10  }
0x2b: {  	s11 =	sadd.s32 $0x40, s11;
	p2 =	slt.u32 s10, $0x186A0;
	v6 =	vmin.f32 v5, v4;
	v7 =	vmax.f32 v3, v4  }
0x2c: {  	v4 =	vld [tilespmem:s12+$0x4B00];
	v5 =	vpsel p2, v6, v5;
	v3 =	vpsel p2, v7, v3  }
0x2d: {  	v6 =	vimm.s32 $0xEFCDAB89;
	v7 =	vimm.s32 $0x67452301  }
0x2e: {  	v6 =	vunpack.c.l.s4.s8 v6;
	v7 =	vunpack.c.l.s4.s8 v7;
	_ =	sdelay $0x1  }
0x2f: {  	v6 =	vunpack.c.0.s8.s32 v6;
	v7 =	vunpack.c.0.s8.s32 v7  }
0x30: {  	v9 =	vimm.s32 $0xDCFE98BA;
	v10 =	vimm.s32 $0x54761032  }
0x31: {  	s10 =	sadd.s32 $0x10, s10;
	v6 =	vcombine.low v7, v6;
	v7 =	vunpack.c.l.s4.s8 v9;
	v9 =	vunpack.c.l.s4.s8 v10  }
0x32: {  	p1 =	slt.u32 s10, $0x186A0;
	v8 =	vmin.f32 v5, v4  }
0x33: {  	v5 =	vpsel p1, v8, v5;
	v7 =	vunpack.c.0.s8.s32 v7;
	v8 =	vunpack.c.0.s8.s32 v9  }
0x34: {  	v4 =	vmax.f32 v3, v4;
	v10 =	vimm.s32 $0x32107654;
	v6 =	vand.u32 $0xF, v6  }
0x35: {  	_ =	strace $0x90000049;
	v9 =	vperm.xlane v5, v6;
	v7 =	vcombine.low v8, v7;
	v8 =	vimm.s32 $0xBA98FEDC  }
0x36: {  	s25 =	simm.s32 $0x1;
	_ =	strace $0x8000004A;
	v3 =	vpsel p1, v4, v3;
	v4 =	vunpack.c.l.s4.s8 v8;
	v8 =	vunpack.c.l.s4.s8 v10  }
0x37: {  	v11 =	vimm.s32 $0x76543210;
	_ =	swait.ge [sflag:s25], $0x1900;
	v5 =	vmin.f32 v5, v9;
	v9 =	vperm.xlane v3, v6  }
0x38: {  	[sflag:s25] =	ssyncset.done $0x0;
	v10 =	vimm.s32 $0xFEDCBA98;
	v4 =	vunpack.c.0.s8.s32 v4;
	v8 =	vunpack.c.0.s8.s32 v8  }
0x39: {  	[sflag:s25] =	ssyncadd.s32 $0xFFFFE700;
	v7 =	vand.u32 $0xF, v7;
	v10 =	vunpack.c.l.s4.s8 v10;
	v3 =	vmax.f32 v3, v9  }
0x3a: {  	_ =	strace $0x9000004A;
	v9 =	vperm.xlane v3, v7;
	v4 =	vcombine.low v8, v4;
	v8 =	vunpack.c.l.s4.s8 v11  }
0x3b: {  	_ =	strace $0x8000004B;
	v10 =	vunpack.c.0.s8.s32 v10;
	v11 =	vperm.xlane v5, v7  }
0x3c: {  	v3 =	vmax.f32 v3, v9;
	v9 =	vld [tilespmem:$0x1900];
	v4 =	vand.u32 $0xF, v4;
	v8 =	vunpack.c.0.s8.s32 v8  }
0x3d: {  	v10 =	vand.u32 $0xF, v10;
	v12 =	vperm.xlane v3, v4  }
0x3e: {  	v11 =	vmin.f32 v5, v11;
	v10 =	vcombine.low v10, v8  }
0x3f: {  	v8 =	vperm.xlane v11, v4;
	v3 =	vmax.f32 v3, v12  }
0x40: {  	v13 =	vimm.s32 $0x1;
	v5 =	vimm.s32 $0x0;
	v12 =	vperm.xlane v3, v10  }
0x41: {  	v8 =	vmin.f32 v11, v8;
	v11 =	vperm.xlane v9, v5;
	v9 =	vperm.xlane v9, v13  }
0x42: {  	vm0 =	vcmask $0x3F0C;
	v13 =	vperm.xlane v8, v10  }
0x43: {  	v3 =	vmax.f32 v3, v12;
	v9 =	vsel vm0, v9, v11;
	vm0 =	vcmask $0x3F08  }
0x44: {  	v8 =	vmin.f32 v8, v13;
	v3 =	vsel vm0, v9, v3;
	vm0 =	vmmov $0x1  }
0x45: {  	v3 =	vsel vm0, v8, v3  }
0x46: {  	s26 =	simm.s32 $0x9680;
	s28 =	simm.s32 $0x4;
	[tilespmem:$0x9680] =	vst v3  }
0x47: {  	[spmem:s9] =	stream.linear.scatter [tilespmem:s26], [sflag:$0x4], $0x10, $0x200038;
	[tilespmem:$0x99A0] =	vst v63  }
0x48: {  	_ =	swait.ge [sflag:s28], $0x10  }
0x49: {  	v11 =	vlaneseq.u32;
	[sflag:s28] =	ssyncset.done $0x0  }
0x4a: {  	v3 =	vmul.u32 $0x10, v11;
	[sflag:s28] =	ssyncadd.s32 $0xFFFFFFF0  }
0x4b: {  	s29 =	simm.s32 $0x9700;
	[bflag:$0x0] =	sbarrier.arrive $0xFFFF  }
0x4c: {  	v8 =	vor.u32 $0x1, v3;
	[tilespmem:s29], [sflag:$0x4] =	stream.linear.gather [spmem:s8], $0x100, $0x200038;
	[tilespmem:$0x99A0] =	vst v63  }
0x4d: {  	_ =	swait.ge [sflag:s28], $0x100  }
0x4e: {  	[sflag:s28] =	ssyncset.done $0x0  }
0x4f: {  	[sflag:s28] =	ssyncadd.s32 $0xFFFFFF00  }
0x50: {  	v3 =	vld.idx.msk [tilespmem:v3+s29+$0x0], $0xffff  }
0x51: {  	v9 =	vld.idx.msk [tilespmem:v8+s29+$0x0], $0xffff;
	_ =	sdelay $0x4  }
0x52: {  	s30 =	simm.s32 $0x0;
	v12 =	vperm.xlane v3, v6;
	v6 =	vperm.xlane v9, v6  }
0x53: {  	v13 =	vmov s30;
	v8 =	vmul.u32 $0x2, v11  }
0x54: {  	v3 =	vmin.f32 v3, v12;
	v6 =	vmax.f32 v9, v6;
	v9 =	vshll.u32 v13, $0x1  }
0x55: {  	v12 =	vperm.xlane v3, v7;
	v7 =	vperm.xlane v6, v7;
	v9 =	vor.u32 v8, v9  }
0x56: {  	v13 =	vor.u32 $0x1, v9  }
0x57: {  	v3 =	vmin.f32 v3, v12;
	v6 =	vmax.f32 v6, v7  }
0x58: {  	v7 =	vld [tilespmem:$0x9700];
	_ =	strace $0x9000004B;
	v12 =	vperm.xlane v3, v4;
	v4 =	vperm.xlane v6, v4  }
0x59: {  	s8 =	simm.s32 $0x1900;
	_ =	strace $0x8000004C  }
0x5a: {  	v3 =	vmin.f32 v3, v12;
	v4 =	vmax.f32 v6, v4;
	v6 =	vld.idx.msk [tilespmem:v9+s8+$0x0], $0xffff  }
0x5b: {  	v9 =	vperm.xlane v3, v10;
	v12 =	vld.idx.msk [tilespmem:v13+s8+$0x0], $0xffff  }
0x5c: {  	v10 =	vperm.xlane v4, v10  }
0x5d: {  	v3 =	vmin.f32 v3, v9  }
0x5e: {  	s31 =	sadd.s32 $0x0, s7;
	v4 =	vmax.f32 v4, v10;
	v9 =	vor.u32 $0xC350, v11;
	v10 =	vmul.u32 $0xFFFFFFFF, v11  }
0x5f: {  	v11 =	vmov s31;
	vm1 =	vlt.f32 v3, v4;
	vm2 =	vgt.f32 v3, v4  }
0x60: {  	vm5 =	veq.s32 v11, v9;
	vm3 =	vlt.f32 v6, v12;
	vm4 =	vgt.f32 v6, v12  }
0x61: {  	vm1 =	vmor vm2, vm1;
	vm2 =	vmor vm4, vm3;
	vm3 =	vmneg vm5  }
0x62: {  	v10 =	vadd.s32 $0xC351, v10;
	vm2 =	vmand vm3, vm2;
	vm3 =	vmand vm5, vm1  }
0x63: {  	vm2 =	vmor vm3, vm2;
	vm3 =	vlt.u32 v11, v10  }
0x64: {  	vm2 =	vmand vm3, vm2  }
0x65: {  	v13 =	vsel vm2, $0x1, v5  }
0x66: {  	(xrf0) =	vadd.scan.msk.s32 $0xffff, v13  }
0x67: {  	s11 =	simm.s32 $0x10  }
0x68: {  	v14 =	vmov s11  }
0x69: {  	v14 =	vshll.u32 v14, $0x1  }
0x6a: {  	v14 =	vor.u32 v8, v14  }
0x6b: {  	v16 =	vor.u32 $0x1, v14;
	v6 =	vimm.s32 $0x2;
	v12 =	vsel vm2, $0xFFFFFFFF, v5  }
0x6c: {  	v6 =	vperm.xlane v7, v6;
	v11 =	vimm.s32 $0x3;
	v12 =	vadd.s32 v12, v5;
	v15, _, _ =	vpop (xrf0)  }
0x6d: {  	s9 =	simm.s32 $0x7000;
	v7 =	vperm.xlane v7, v11;
	v11 =	vimm.s32 $0xF;
	v12 =	vadd.s32 v15, v12  }
0x6e: {  	s12 =	simm.s32 $0x20;
	s10 =	simm.s32 $0x6380;
	v15 =	vperm.xlane v15, v11;
	[tilespmem:s9+$0x0] =	vst v12;
	v12 =	vimm.s32 $0x0  }
.LBB2_5:
0x6f: {  	s9 =	sadd.s32 $0x10, s9  }
0x70: {  	[tilespmem:s10+$0x0] =	vst v13;
	v12 =	vadd.s32 v12, v15;
	s10 =	sadd.s32 $0x10, s10;
	s13 =	smov.u32 s12;
	s14 =	sadd.s32 $0x10, s12  }
0x71: {  	p1 =	sne.s32 s12, $0xC70;
	v13 =	vld.idx.msk [tilespmem:v14+s8+$0x0], $0xffff  }
0x72: {  	v14 =	vld.idx.msk [tilespmem:v16+s8+$0x0], $0xffff;
	_ =	sdelay $0x3  }
0x73: {  	s12 =	sadd.s32 s11, s7;
	s11 =	smov.u32 s13  }
0x74: {  	v15 =	vmov s12  }
0x75: {  	vm4 =	veq.s32 v15, v9;
	vm2 =	vlt.f32 v13, v14;
	vm3 =	vgt.f32 v13, v14  }
0x76: {  	vm2 =	vmor vm3, vm2;
	vm3 =	vmneg vm4  }
0x77: {  	vm2 =	vmand vm3, vm2;
	vm3 =	vmand vm4, vm1  }
0x78: {  	vm2 =	vmor vm3, vm2;
	vm3 =	vlt.u32 v15, v10  }
0x79: {  	vm2 =	vmand vm3, vm2  }
0x7a: {  	v15 =	vsel vm2, $0xFFFFFFFF, v5;
	v13 =	vsel vm2, $0x1, v5  }
0x7b: {  	(xrf0) =	vadd.scan.msk.s32 $0xffff, v13;
	_ =	sdelay $0x2  }
0x7c: {  	v14 =	vmov s11  }
.Ltmp2:
0x7d: {  	v14 =	vshll.u32 v14, $0x1;
	(pc) =	sbr.rel @p1 .LBB2_5-.Ltmp2, $4  }
0x7e: {  	v14 =	vor.u32 v8, v14  }
0x7f: {  	v16 =	vor.u32 $0x1, v14;
	v15 =	vadd.s32 v15, v12;
	v17, _, _ =	vpop (xrf0)  }
0x80: {  	v18 =	vadd.s32 v17, v15;
	v15 =	vperm.xlane v17, v11  }
0x81: {  	s12 =	smov.u32 s14;
	[tilespmem:s9+$0x0] =	vst v18  }
0x82: {  	_ =	sdelay $0x2  }
0x83: {  	[tilespmem:s10+$0x0] =	vst v13  }
0x84: {  	v8 =	vld.idx.msk [tilespmem:v14+s8+$0x0], $0xffff  }
0x85: {  	v13 =	vld.idx.msk [tilespmem:v16+s8+$0x0], $0xffff;
	_ =	sdelay $0x2  }
0x86: {  	s7 =	sadd.s32 s11, s7  }
0x87: {  	v60 =	vmov s7  }
0x88: {  	vm4 =	veq.s32 v60, v9;
	vm2 =	vlt.f32 v8, v13;
	vm3 =	vgt.f32 v8, v13  }
0x89: {  	vm15 =	vmneg vm4;
	vm2 =	vmor vm3, vm2  }
0x8a: {  	vm1 =	vmand vm4, vm1;
	vm2 =	vmand vm15, vm2  }
0x8b: {  	vm6 =	vlt.u32 v60, v10;
	vm1 =	vmor vm1, vm2  }
0x8c: {  	vm1 =	vmand vm6, vm1  }
0x8d: {  	v61 =	vsel vm1, $0x1, v5  }
0x8e: {  	(xrf0) =	vadd.scan.msk.s32 $0xffff, v61;
	_ =	sdelay $0x4  }
0x8f: {  	v62 =	vadd.s32 v12, v15;
	v5 =	vsel vm1, $0xFFFFFFFF, v5  }
0x90: {  	vm7 =	vcmask $0xB08;
	v5 =	vadd.s32 v5, v62;
	v63, _, _ =	vpop (xrf0)  }
0x91: {  	s28 =	sadd.s32 $0x10, s9;
	vm8 =	vcmask $0x300;
	v5 =	vadd.s32 v63, v5;
	v10 =	vperm.xlane v63, v11  }
0x92: {  	s29 =	sadd.s32 $0x10, s10;
	vm9 =	vcmask $0x1310;
	vm1 =	vmor vm8, vm7;
	[tilespmem:s28+$0x0] =	vst v5  }
0x93: {  	vm11 =	vcmask $0x1B18;
	vm10 =	vmor vm1, vm9;
	[tilespmem:s29+$0x0] =	vst v61;
	v5 =	vadd.s32 v62, v10  }
0x94: {  	vm12 =	vcmask $0x2320;
	_ =	strace $0x9000004C;
	v5 =	vnsel vm0, $0x0, v5;
	vm0 =	vmor vm10, vm11  }
0x95: {  	s30 =	simm.s32 $0x9800;
	vm13 =	vcmask $0x2B28;
	s31 =	simm.s32 $0x4;
	_ =	strace $0x8000004D;
	[tilespmem:$0x9800] =	vst v5;
	vm0 =	vmor vm0, vm12  }
0x96: {  	vm14 =	vcmask $0x3330;
	[spmem:s6] =	stream.linear.scatter [tilespmem:s30], [sflag:$0x4], $0x10, $0x200038;
	vm0 =	vmor vm0, vm13;
	[tilespmem:$0x99A0] =	vst v63  }
0x97: {  	vm15 =	vcmask $0x3B38;
	_ =	swait.ge [sflag:s31], $0x10;
	vm0 =	vmor vm0, vm14  }
0x98: {  	[sflag:s31] =	ssyncset.done $0x0;
	vm0 =	vmor vm0, vm15  }
0x99: {  	s7 =	simm.s32 $0x0;
	s6 =	simm.s32 $0x40;
	[sflag:s31] =	ssyncadd.s32 $0xFFFFFFF0;
	v5 =	vsel vm0, v6, v7  }
.LBB2_7:
0x9a: {  	p1 =	sne.s32 s6, $0x63C0;
	[tilespmem:s7+$0x7C80] =	vst v5;
	s7 =	smov.u32 s6;
	s6 =	sadd.s32 $0x40, s6  }
.Ltmp3:
0x9b: {  	(pc) =	sbr.rel @p1 .LBB2_7-.Ltmp3, $2  }
0x9c: {  	_ =	sdelay $0x2  }
0x9d: {  	s7 =	sshra.s32 s7, $0x2  }
0x9e: {  	[tilespmem:s7+$0x7C80] =	vst v5;
	s6 =	simm.s32 $0x0;
	s29 =	simm.s32 $0x7C80;
	s30 =	simm.s32 $0x4  }
0x9f: {  	[hbm4b:s5+s6] =	stream.linear.scatter [tilespmem:s29], [sflag:$0x4], $0x1900, $0x200038;
	[tilespmem:$0x99A0] =	vst v63  }
0xa0: {  	_ =	swait.ge [sflag:s30], $0x1900  }
0xa1: {  	[sflag:s30] =	ssyncset.done $0x0  }
0xa2: {  	[sflag:s30] =	ssyncadd.s32 $0xFFFFE700  }
0xa3: {  	_ =	strace $0x9000004D  }
0xa4: {  	_ =	strace $0x8000004E  }
0xa5: {  	v5 =	vlaneseq.u32;
	[bflag:$0x0] =	sbarrier.arrive $0xFFFF  }
0xa6: {  	v6 =	vmul.u32 $0x10, v5;
	_ =	strace $0x9000004E  }
0xa7: {  	s31 =	simm.s32 $0x9880;
	_ =	strace $0x8000004F  }
0xa8: {  	[tilespmem:s31], [sflag:$0x4] =	stream.linear.gather [spmem:s4], $0x100, $0x200038;
	[tilespmem:$0x99A0] =	vst v63  }
0xa9: {  	_ =	swait.ge [sflag:s30], $0x100  }
0xaa: {  	[sflag:s30] =	ssyncset.done $0x0  }
0xab: {  	[sflag:s30] =	ssyncadd.s32 $0xFFFFFF00  }
0xac: {  	v6 =	vld.idx.msk [tilespmem:v6+s31+$0x0], $0xffff;
	_ =	sdelay $0x1  }
0xad: {  	p1 =	sne.s32 s3, $0xF  }
0xae: {  	v7 =	vlaneseq.u32 @!p1  }
0xaf: {  	v7 =	vor.u32 @!p1 $0xFA0, v7  }
0xb0: {  	(xrf0) =	vadd.scan.msk.s32 $0xffff, v6;
	_ =	sdelay $0x1  }
0xb1: {  	vm0 =	vmmov @!p1 $0x1  }
0xb2: {  	s3 =	simm.s32 @!p1 $0x1900;
	v3 =	vsel @!p1 vm0, v3, v4  }
0xb3: {  	[tilespmem:v7+s3+$0x0] =	vst.idx.msk @!p1 $0x3, v3;
	s3 =	simm.s32 $0x7000  }
0xb4: {  	s4 =	simm.s32 $0x6380;
	v4 =	vld [tilespmem:s3+$0x0]  }
0xb5: {  	v3 =	vmul.u32 $0x2, v5;
	v5 =	vld [tilespmem:s4+$0x0];
	v7, _, _ =	vpop (xrf0)  }
0xb6: {  	v6 =	vsub.s32 v7, v6  }
0xb7: {  	v2 =	vperm.xlane v6, v2  }
0xb8: {  	v8 =	vmov s6  }
0xb9: {  	v7 =	vshll.u32 v8, $0x1;
	v4 =	vadd.s32 v2, v4  }
0xba: {  	vm15 =	vgt.s32 v5, $0x0;
	v6 =	vor.u32 v3, v7;
	v4 =	vshll.u32 v4, $0x1  }
0xbb: {  	v5 =	vsel vm15, v4, v0;
	v7 =	vor.u32 $0x1, v4;
	v4 =	vor.u32 $0x1, v6;
	_ =	sdelay $0x2  }
0xbc: {  	s5 =	simm.s32 $0x3200  }
0xbd: {  	s6 =	simm.s32 $0x10;
	[tilespmem:v6+s5+$0x0] =	vst.idx.msk $0xffff, v5;
	v5 =	vsel vm15, v7, v1  }
.LBB2_9:
0xbe: {  	p1 =	sne.s32 s6, $0xC70;
	[tilespmem:v4+s5+$0x0] =	vst.idx.msk $0xffff, v5;
	s4 =	sadd.s32 $0x10, s4;
	s3 =	sadd.s32 $0x10, s3  }
0xbf: {  	s7 =	smov.u32 s6;
	s6 =	sadd.s32 $0x10, s6;
	v5 =	vld [tilespmem:s3+$0x0]  }
0xc0: {  	v4 =	vmov s7;
	v6 =	vld [tilespmem:s4+$0x0]  }
0xc1: {  	v4 =	vshll.u32 v4, $0x1  }
0xc2: {  	v7 =	vor.u32 v3, v4  }
.Ltmp4:
0xc3: {  	v4 =	vor.u32 $0x1, v7;
	(pc) =	sbr.rel @p1 .LBB2_9-.Ltmp4, $4  }
0xc4: {  	v5 =	vadd.s32 v2, v5  }
0xc5: {  	v5 =	vshll.u32 v5, $0x1;
	vm0 =	vgt.s32 v6, $0x0  }
0xc6: {  	v6 =	vsel vm0, v5, v0;
	v5 =	vor.u32 $0x1, v5  }
0xc7: {  	[tilespmem:v7+s5+$0x0] =	vst.idx.msk $0xffff, v6;
	v5 =	vsel vm0, v5, v1  }
0xc8: {  	_ =	sdelay $0x3  }
0xc9: {  	[tilespmem:v4+s5+$0x0] =	vst.idx.msk $0xffff, v5  }
0xca: {  	s3 =	simm.s32 $0x80;
	s4 =	simm.s32 $0x200;
	_ =	strace $0x9000004F  }
0xcb: {  	s5 =	simm.s32 $0x1900;
	s6 =	simm.s32 $0x3200;
	_ =	strace $0x80000050  }
.LBB2_11:
0xcc: {  	[hbm4b:s2+s3] =	stream.indirect.scatter [tilespmem:s5], [sflag:$0x2], $0x1, s6, s3, $0x2000b8;
	[tilespmem:$0x99A0] =	vst v63  }
0xcd: {  	s5 =	smov.u32 s4;
	p1 =	sne.s32 s4, $0x6200  }
.Ltmp5:
0xce: {  	s4 =	sadd.s32 $0x200, s4;
	(pc) =	sbr.rel @p1 .LBB2_11-.Ltmp5, $3  }
0xcf: {  	_ =	sdelay $0x1  }
0xd0: {  	s6 =	sshra.s32 s5, $0x2  }
0xd1: {  	s5 =	sadd.s32 $0x1900, s6;
	s6 =	sadd.s32 $0x3200, s6  }
0xd2: {  	[hbm4b:s2+s3] =	stream.indirect.scatter [tilespmem:s5], [sflag:$0x2], $0x1, s6, s3, $0x2000b8;
	[tilespmem:$0x99A0] =	vst v63  }
0xd3: {  	s31 =	simm.s32 $0x2  }
0xd4: {  	_ =	swait.ge [sflag:s31], $0x1900  }
0xd5: {  	[sflag:s31] =	ssyncset.done $0x0  }
0xd6: {  	[sflag:s31] =	ssyncadd.s32 $0xFFFFE700  }
0xd7: {  	_ =	strace @p0 $0x90000050  }
0xd8: {  	_ =	sfence.sel @p0 $0x180000  }
0xd9: {  	[bflag:$0x0] =	sbarrier.arrive @p0 $0xFFFF  }
0xda: {  	_ =	strace @p0 $0x90000047  }
0xdb: {  	s2 =	simm.s32 @!p0 $0x3;
	[bflag:$0x2] =	sbarrier.arrive @p0 $0xFFFF  }
0xdc: {  	_ =	swait.ge @!p0 [sflag:s2], $0x10  }
0xdd: {  	[sflag:s2] =	ssyncset.done @!p0 $0x0  }
0xde: {  	s3 =	simm.s32 @!p0 $0x9600;
	[sflag:s2] =	ssyncadd.s32 @!p0 $0xFFFFFFF0;
	s2 =	simm.s32 @!p0 $0x0  }
0xdf: {  	[hbm4b:s1+s2] =	stream.linear.scatter @!p0 [tilespmem:s3], [sflag:$0x4], $0x80, $0x200038;
	[tilespmem:$0x99A0] =	vst v63  }
0xe0: {  	s1 =	simm.s32 @!p0 $0x4  }
0xe1: {  	_ =	swait.ge @!p0 [sflag:s1], $0x80  }
0xe2: {  	[sflag:s1] =	ssyncset.done @!p0 $0x0  }
0xe3: {  	[sflag:s1] =	ssyncadd.s32 @!p0 $0xFFFFFF80  }
0xe4: {  	_ =	strace @!p0 $0x90000050  }
0xe5: {  	_ =	sfence.sel @!p0 $0x180000  }
0xe6: {  	[bflag:$0x0] =	sbarrier.arrive @!p0 $0xFFFF  }
0xe7: {  	_ =	strace @!p0 $0x90000047  }
0xe8: {  	s0 =	sadd.s32 @!p0 $0x100000, s0;
	[bflag:$0x2] =	sbarrier.arrive @!p0 $0xFFFF  }
0xe9: {  	[sflag:s0] =	ssyncadd.tile.s32 @!p0 $0x1;
	_ =	shalt  }
.Lfunc_end2:
_tile_overlayer_lowered:
.L_overlay_start_2:
0xea: {  	(tag) =	ssettag $0x2  }
0xeb: {  	s0 =	rddreg [dreg:$0x0];
	s2 =	stileid.u32  }
0xec: {  	s1 =	rddreg [dreg:$0x1];
	p0 =	sne.s32 s2, $0x0  }
0xed: {  	s3 =	rddreg [dreg:$0x2];
	[bflag:$0x3] =	sbarrier.arrive $0xFFFF;
	s2 =	simm.s32 @!p0 $0x1C04  }
0xee: {  	[timem:s3], [sflag:s2] =	dma.local @!p0 [hbm:s0], s1  }
0xef: {  	s0 =	simm.s32 @!p0 $0x4  }
0xf0: {  	_ =	swait.ge @!p0 [sflag:s0], s1  }
0xf1: {  	s1 =	ssub.s32 @!p0 $0x0, s1;
	[sflag:s0] =	ssyncset.done @!p0 $0x0  }
0xf2: {  	[sflag:s0] =	ssyncadd.s32 @!p0 s1  }
0xf3: {  	[bflag:$0x3] =	sbarrier.arrive $0xFFFF  }
0xf4: {  	_ =	shalt  }

</sc_bundles>
